<compile_context>
chip_gen: v7x
topology: tpu7x:2x2x1
jax: 0.10.2.dev20260603
libtpu: 0.0.44.dev20260713+nightly
codegen_flags: <defaults>
</compile_context>

<pallas_src>
import jax
import jax.numpy as jnp
from jax import lax
from jax.experimental import pallas as pl
from jax.experimental.pallas import tpu as pltpu
from jax.experimental.pallas import tpu_sc as plsc

NUM_VOCAB = 100000
MAXLEN = 200
NUM_HID = 128
BATCH = 4096
SEQ = 200

NC, NS, L = 2, 16, 16
NW = NC * NS
ROWS = BATCH * SEQ
SEQ_PER_W = BATCH // NW
HALF = SEQ // 2
HGRP = NUM_HID // L
NITER = (SEQ_PER_W - 2) // 3


def _body(x2, s_emb, pos_emb, out, i0, i1, i2, b0, b1, b2, posb,
          gi0, gi1, gi2, g0, g1, g2, o0, o1, o2):
    wid = lax.axis_index("s") * NC + lax.axis_index("c")
    cb = wid * SEQ_PER_W

    pltpu.sync_copy(pos_emb, posb)

    idxs = (i0, i1, i2)
    bufs = (b0, b1, b2)
    isems = (gi0, gi1, gi2)
    gsems = (g0, g1, g2)
    osems = (o0, o1, o2)
    last = SEQ_PER_W - 1

    def start_idx(c, p):
        cc = jnp.minimum(cb + c, NW * SEQ_PER_W - 1)
        pltpu.async_copy(x2.at[pl.ds(2 * cc, 2)], idxs[p], isems[p])

    def wait_idx(p):
        pltpu.make_async_copy(x2.at[pl.ds(0, 2)], idxs[p], isems[p]).wait()

    def start_gather(c, p):
        buf, sem = bufs[p], gsems[p]
        pltpu.async_copy(s_emb.at[idxs[p].at[0]], buf.at[pl.ds(0, HALF)], sem)
        pltpu.async_copy(s_emb.at[idxs[p].at[1]], buf.at[pl.ds(HALF, HALF)], sem)

    def wait_gather(p):
        buf, sem = bufs[p], gsems[p]
        pltpu.make_async_copy(s_emb.at[idxs[p].at[0]], buf.at[pl.ds(0, HALF)], sem).wait()
        pltpu.make_async_copy(s_emb.at[idxs[p].at[0]], buf.at[pl.ds(HALF, HALF)], sem).wait()

    def start_scatter(c, p):
        pltpu.async_copy(bufs[p], out.at[pl.ds((cb + c) * SEQ, SEQ)], osems[p])

    def wait_scatter(p):
        pltpu.make_async_copy(bufs[p], out.at[pl.ds(0, SEQ)], osems[p]).wait()

    def add_pos(p):
        buf = bufs[p]

        def add_row(r, acc):
            for cg in range(HGRP):
                pv = posb[r, pl.ds(cg * L, L)]
                plsc.addupdate(buf.at[r, pl.ds(cg * L, L)], pv)
            return acc

        lax.fori_loop(0, SEQ, add_row, 0, unroll=2)

    for c in range(3):
        start_idx(c, c)
    for c in range(2):
        wait_idx(c)
        start_gather(c, c)

    def step(it, carry):
        c0 = 3 * it
        for j in range(3):
            p = j
            pn = (j + 2) % 3
            wait_gather(p)
            start_idx(c0 + j + 3, p)
            add_pos(p)
            start_scatter(c0 + j, p)
            wait_idx(pn)
            if j == 0:
                @pl.when(it > 0)
                def _():
                    wait_scatter(pn)
            else:
                wait_scatter(pn)
            start_gather(c0 + j + 2, pn)
        return carry

    lax.fori_loop(0, NITER, step, 0)

    for c, p in ((SEQ_PER_W - 2, 0), (SEQ_PER_W - 1, 1)):
        wait_gather(p)
        add_pos(p)
        start_scatter(c, p)
    for p in (2, 0, 1):
        wait_scatter(p)


@jax.jit
def _run(x2, s_emb, pos_emb):
    mesh = plsc.VectorSubcoreMesh(core_axis_name="c", subcore_axis_name="s")
    return pl.kernel(
        _body,
        out_type=jax.ShapeDtypeStruct((ROWS, NUM_HID), jnp.float32),
        mesh=mesh,
        scratch_types=[
            pltpu.VMEM((2, HALF), jnp.int32),
            pltpu.VMEM((2, HALF), jnp.int32),
            pltpu.VMEM((2, HALF), jnp.int32),
            pltpu.VMEM((SEQ, NUM_HID), jnp.float32),
            pltpu.VMEM((SEQ, NUM_HID), jnp.float32),
            pltpu.VMEM((SEQ, NUM_HID), jnp.float32),
            pltpu.VMEM((MAXLEN, NUM_HID), jnp.float32),
            pltpu.SemaphoreType.DMA,
            pltpu.SemaphoreType.DMA,
            pltpu.SemaphoreType.DMA,
            pltpu.SemaphoreType.DMA,
            pltpu.SemaphoreType.DMA,
            pltpu.SemaphoreType.DMA,
            pltpu.SemaphoreType.DMA,
            pltpu.SemaphoreType.DMA,
            pltpu.SemaphoreType.DMA,
        ],
    )(x2, s_emb, pos_emb)


def kernel(x, s_emb, pos_emb):
    x2 = x.astype(jnp.int32).reshape(BATCH * 2, SEQ // 2)
    out = _run(x2, s_emb, pos_emb)
    return out.reshape(BATCH, SEQ, NUM_HID)

# --- scband reference (transcript-rebuilt; emitter-appended) ---
"""Pipeline reference for scband-token-embedding-12850542150470 (READ-ONLY COPY).

The authoritative reference and input builder live on the scoring server;
editing this copy changes nothing except your own understanding.
"""

import jax, jax.numpy as jnp
import numpy as np

NUM_VOCAB = 100000
MAXLEN = 200
NUM_HID = 128
BATCH = 4096
SEQ = 200

def setup_inputs(seed: int = 0) -> dict:
    key = jax.random.key(seed)
    k1, k2, k3 = jax.random.split(key, 3)
    x = jax.random.randint(k1, (BATCH, SEQ), 0, NUM_VOCAB, dtype=jnp.int64 if jax.config.jax_enable_x64 else jnp.int32)
    s_emb = jax.random.normal(k2, (NUM_VOCAB, NUM_HID), dtype=jnp.float32)
    pos_emb = jax.random.normal(k3, (MAXLEN, NUM_HID), dtype=jnp.float32)
    return {"x": x, "s_emb": s_emb, "pos_emb": pos_emb}

def reference(x, s_emb, pos_emb):
    # token embedding gather: [B, S] -> [B, S, H]
    tok = jnp.take(s_emb, x, axis=0)
    # positional embedding gather over arange(seq_len)
    positions = jnp.arange(x.shape[1])
    pos = jnp.take(pos_emb, positions, axis=0)  # [S, H]
    return tok + pos[None, :, :]

if __name__ == "__main__":
    import jax
    _d = setup_inputs()
    print(jax.jit(kernel)(*tuple(_d.values())))

</pallas_src>

<mosaic_0001>
#map = affine_map<(d0, d1) -> (0, 0)>
module attributes {stable_mosaic.version = 14 : i64} {
  func.func @_body(%arg0: i32, %arg1: i32, %arg2: memref<8192x100xi32, #tpu.memory_space<hbm>>, %arg3: memref<100000x128xf32, #tpu.memory_space<hbm>>, %arg4: memref<200x128xf32, #tpu.memory_space<hbm>>, %arg5: memref<819200x128xf32, #tpu.memory_space<hbm>>, %arg6: memref<2x100xi32, #tpu.memory_space<vmem>>, %arg7: memref<2x100xi32, #tpu.memory_space<vmem>>, %arg8: memref<2x100xi32, #tpu.memory_space<vmem>>, %arg9: memref<200x128xf32, #tpu.memory_space<vmem>>, %arg10: memref<200x128xf32, #tpu.memory_space<vmem>>, %arg11: memref<200x128xf32, #tpu.memory_space<vmem>>, %arg12: memref<200x128xf32, #tpu.memory_space<vmem>>, %arg13: memref<!tpu.dma_semaphore, #tpu.memory_space<semaphore_mem>>, %arg14: memref<!tpu.dma_semaphore, #tpu.memory_space<semaphore_mem>>, %arg15: memref<!tpu.dma_semaphore, #tpu.memory_space<semaphore_mem>>, %arg16: memref<!tpu.dma_semaphore, #tpu.memory_space<semaphore_mem>>, %arg17: memref<!tpu.dma_semaphore, #tpu.memory_space<semaphore_mem>>, %arg18: memref<!tpu.dma_semaphore, #tpu.memory_space<semaphore_mem>>, %arg19: memref<!tpu.dma_semaphore, #tpu.memory_space<semaphore_mem>>, %arg20: memref<!tpu.dma_semaphore, #tpu.memory_space<semaphore_mem>>, %arg21: memref<!tpu.dma_semaphore, #tpu.memory_space<semaphore_mem>>) attributes {dimension_semantics = [#tpu.dimension_semantics<core_parallel>, #tpu.dimension_semantics<subcore_parallel>], iteration_bounds = array<i64: 2, 16>, scalar_prefetch = 0 : i64, scratch_operands = 16 : i64, tpu.core_type = #tpu.core_type<sc_vector_subcore>, window_params = [{transform_indices = #map}, {transform_indices = #map}, {transform_indices = #map}, {transform_indices = #map}]} {
    %mul3A = arith.constant 2 : i32
    %mul3A_0 = arith.muli %arg1, %mul3A : i32
    %add3A = arith.addi %mul3A_0, %arg0 : i32
    %mul3A_1 = arith.constant 128 : i32
    %mul3A_2 = arith.muli %add3A, %mul3A_1 : i32
    "tpu.region"() ({
      %run_scoped3A = tpu.sem_alloc : memref<!tpu.dma_semaphore, #tpu.memory_space<semaphore_mem>>
      tpu.enqueue_dma source(%arg4 : memref<200x128xf32, #tpu.memory_space<hbm>>) target(%arg12 : memref<200x128xf32, #tpu.memory_space<vmem>>) target_semaphore(%run_scoped3A : memref<!tpu.dma_semaphore, #tpu.memory_space<semaphore_mem>>)
      tpu.wait_dma2 semaphore(%run_scoped3A : memref<!tpu.dma_semaphore, #tpu.memory_space<semaphore_mem>>) src(%arg4 : memref<200x128xf32, #tpu.memory_space<hbm>>) dst(%arg12 : memref<200x128xf32, #tpu.memory_space<vmem>>)
      tpu.yield
    }) : () -> ()
    %add3A_3 = arith.constant 0 : i32
    %add3A_4 = arith.addi %mul3A_2, %add3A_3 : i32
    %min3A = arith.constant 4095 : i32
    %min3A_5 = arith.minsi %add3A_4, %min3A : i32
    %mul3A_6 = arith.constant 2 : i32
    %mul3A_7 = arith.muli %mul3A_6, %min3A_5 : i32
    %dma_start3A = arith.constant 0 : i32
    %dma_start3A_8 = tpu.memref_slice %arg2[%mul3A_7, %dma_start3A] : memref<8192x100xi32, #tpu.memory_space<hbm>> -> memref<2x100xi32, #tpu.memory_space<hbm>>
    %dma_start3A_9 = arith.constant 0 : i32
    %dma_start3A_10 = tpu.memref_slice %arg2[%mul3A_7, %dma_start3A_9] : memref<8192x100xi32, #tpu.memory_space<hbm>> -> memref<2x100xi32, #tpu.memory_space<hbm>>
    tpu.enqueue_dma source(%dma_start3A_10 : memref<2x100xi32, #tpu.memory_space<hbm>>) target(%arg6 : memref<2x100xi32, #tpu.memory_space<vmem>>) target_semaphore(%arg13 : memref<!tpu.dma_semaphore, #tpu.memory_space<semaphore_mem>>)
    %add3A_11 = arith.constant 1 : i32
    %add3A_12 = arith.addi %mul3A_2, %add3A_11 : i32
    %min3A_13 = arith.constant 4095 : i32
    %min3A_14 = arith.minsi %add3A_12, %min3A_13 : i32
    %mul3A_15 = arith.constant 2 : i32
    %mul3A_16 = arith.muli %mul3A_15, %min3A_14 : i32
    %dma_start3A_17 = arith.constant 0 : i32
    %dma_start3A_18 = tpu.memref_slice %arg2[%mul3A_16, %dma_start3A_17] : memref<8192x100xi32, #tpu.memory_space<hbm>> -> memref<2x100xi32, #tpu.memory_space<hbm>>
    %dma_start3A_19 = arith.constant 0 : i32
    %dma_start3A_20 = tpu.memref_slice %arg2[%mul3A_16, %dma_start3A_19] : memref<8192x100xi32, #tpu.memory_space<hbm>> -> memref<2x100xi32, #tpu.memory_space<hbm>>
    tpu.enqueue_dma source(%dma_start3A_20 : memref<2x100xi32, #tpu.memory_space<hbm>>) target(%arg7 : memref<2x100xi32, #tpu.memory_space<vmem>>) target_semaphore(%arg14 : memref<!tpu.dma_semaphore, #tpu.memory_space<semaphore_mem>>)
    %add3A_21 = arith.constant 2 : i32
    %add3A_22 = arith.addi %mul3A_2, %add3A_21 : i32
    %min3A_23 = arith.constant 4095 : i32
    %min3A_24 = arith.minsi %add3A_22, %min3A_23 : i32
    %mul3A_25 = arith.constant 2 : i32
    %mul3A_26 = arith.muli %mul3A_25, %min3A_24 : i32
    %dma_start3A_27 = arith.constant 0 : i32
    %dma_start3A_28 = tpu.memref_slice %arg2[%mul3A_26, %dma_start3A_27] : memref<8192x100xi32, #tpu.memory_space<hbm>> -> memref<2x100xi32, #tpu.memory_space<hbm>>
    %dma_start3A_29 = arith.constant 0 : i32
    %dma_start3A_30 = tpu.memref_slice %arg2[%mul3A_26, %dma_start3A_29] : memref<8192x100xi32, #tpu.memory_space<hbm>> -> memref<2x100xi32, #tpu.memory_space<hbm>>
    tpu.enqueue_dma source(%dma_start3A_30 : memref<2x100xi32, #tpu.memory_space<hbm>>) target(%arg8 : memref<2x100xi32, #tpu.memory_space<vmem>>) target_semaphore(%arg15 : memref<!tpu.dma_semaphore, #tpu.memory_space<semaphore_mem>>)
    %dma_wait3A = arith.constant 0 : i32
    %dma_wait3A_31 = arith.constant 0 : i32
    %dma_wait3A_32 = tpu.memref_slice %arg2[%dma_wait3A, %dma_wait3A_31] : memref<8192x100xi32, #tpu.memory_space<hbm>> -> memref<2x100xi32, #tpu.memory_space<hbm>>
    %dma_wait3A_33 = arith.constant 0 : i32
    %dma_wait3A_34 = arith.constant 0 : i32
    %dma_wait3A_35 = tpu.memref_slice %arg2[%dma_wait3A_33, %dma_wait3A_34] : memref<8192x100xi32, #tpu.memory_space<hbm>> -> memref<2x100xi32, #tpu.memory_space<hbm>>
    tpu.wait_dma2 semaphore(%arg13 : memref<!tpu.dma_semaphore, #tpu.memory_space<semaphore_mem>>) src(%dma_wait3A_35 : memref<2x100xi32, #tpu.memory_space<hbm>>) dst(%arg6 : memref<2x100xi32, #tpu.memory_space<vmem>>)
    %dma_start3A_36 = arith.constant 0 : i32
    %dma_start3A_37 = arith.constant 0 : i32
    %dma_start3A_38 = arith.constant 0 : i32
    %dma_start3A_39 = tpu.memref_slice %arg9[%dma_start3A_37, %dma_start3A_38] : memref<200x128xf32, #tpu.memory_space<vmem>> -> memref<100x128xf32, #tpu.memory_space<vmem>>
    %dma_start3A_40 = arith.constant 0 : i32
    %dma_start3A_41 = tpu.memref_slice %arg6[%dma_start3A_36, %dma_start3A_40] : memref<2x100xi32, #tpu.memory_space<vmem>> -> memref<1x100xi32, #tpu.memory_space<vmem>>
    %dma_start3A_42 = tpu.memref_squeeze %dma_start3A_41 : memref<1x100xi32, #tpu.memory_space<vmem>> -> memref<100xi32, #tpu.memory_space<vmem>>
    %dma_start3A_43 = arith.constant 0 : i32
    %dma_start3A_44 = arith.constant 0 : i32
    %dma_start3A_45 = tpu.memref_slice %arg3[%dma_start3A_43, %dma_start3A_44] : memref<100000x128xf32, #tpu.memory_space<hbm>> -> memref<100000x128xf32, #tpu.memory_space<hbm>>
    tpu.enqueue_indirect_dma source(%dma_start3A_45 : memref<100000x128xf32, #tpu.memory_space<hbm>>) target(%dma_start3A_39 : memref<100x128xf32, #tpu.memory_space<vmem>>) offsets(%dma_start3A_42 : memref<100xi32, #tpu.memory_space<vmem>>) semaphore(%arg16 : memref<!tpu.dma_semaphore, #tpu.memory_space<semaphore_mem>>)
    %dma_start3A_46 = arith.constant 1 : i32
    %dma_start3A_47 = arith.constant 100 : i32
    %dma_start3A_48 = arith.constant 0 : i32
    %dma_start3A_49 = tpu.memref_slice %arg9[%dma_start3A_47, %dma_start3A_48] : memref<200x128xf32, #tpu.memory_space<vmem>> -> memref<100x128xf32, #tpu.memory_space<vmem>>
    %dma_start3A_50 = arith.constant 0 : i32
    %dma_start3A_51 = tpu.memref_slice %arg6[%dma_start3A_46, %dma_start3A_50] : memref<2x100xi32, #tpu.memory_space<vmem>> -> memref<1x100xi32, #tpu.memory_space<vmem>>
    %dma_start3A_52 = tpu.memref_squeeze %dma_start3A_51 : memref<1x100xi32, #tpu.memory_space<vmem>> -> memref<100xi32, #tpu.memory_space<vmem>>
    %dma_start3A_53 = arith.constant 0 : i32
    %dma_start3A_54 = arith.constant 0 : i32
    %dma_start3A_55 = tpu.memref_slice %arg3[%dma_start3A_53, %dma_start3A_54] : memref<100000x128xf32, #tpu.memory_space<hbm>> -> memref<100000x128xf32, #tpu.memory_space<hbm>>
    tpu.enqueue_indirect_dma source(%dma_start3A_55 : memref<100000x128xf32, #tpu.memory_space<hbm>>) target(%dma_start3A_49 : memref<100x128xf32, #tpu.memory_space<vmem>>) offsets(%dma_start3A_52 : memref<100xi32, #tpu.memory_space<vmem>>) semaphore(%arg16 : memref<!tpu.dma_semaphore, #tpu.memory_space<semaphore_mem>>)
    %dma_wait3A_56 = arith.constant 0 : i32
    %dma_wait3A_57 = arith.constant 0 : i32
    %dma_wait3A_58 = tpu.memref_slice %arg2[%dma_wait3A_56, %dma_wait3A_57] : memref<8192x100xi32, #tpu.memory_space<hbm>> -> memref<2x100xi32, #tpu.memory_space<hbm>>
    %dma_wait3A_59 = arith.constant 0 : i32
    %dma_wait3A_60 = arith.constant 0 : i32
    %dma_wait3A_61 = tpu.memref_slice %arg2[%dma_wait3A_59, %dma_wait3A_60] : memref<8192x100xi32, #tpu.memory_space<hbm>> -> memref<2x100xi32, #tpu.memory_space<hbm>>
    tpu.wait_dma2 semaphore(%arg14 : memref<!tpu.dma_semaphore, #tpu.memory_space<semaphore_mem>>) src(%dma_wait3A_61 : memref<2x100xi32, #tpu.memory_space<hbm>>) dst(%arg7 : memref<2x100xi32, #tpu.memory_space<vmem>>)
    %dma_start3A_62 = arith.constant 0 : i32
    %dma_start3A_63 = arith.constant 0 : i32
    %dma_start3A_64 = arith.constant 0 : i32
    %dma_start3A_65 = tpu.memref_slice %arg10[%dma_start3A_63, %dma_start3A_64] : memref<200x128xf32, #tpu.memory_space<vmem>> -> memref<100x128xf32, #tpu.memory_space<vmem>>
    %dma_start3A_66 = arith.constant 0 : i32
    %dma_start3A_67 = tpu.memref_slice %arg7[%dma_start3A_62, %dma_start3A_66] : memref<2x100xi32, #tpu.memory_space<vmem>> -> memref<1x100xi32, #tpu.memory_space<vmem>>
    %dma_start3A_68 = tpu.memref_squeeze %dma_start3A_67 : memref<1x100xi32, #tpu.memory_space<vmem>> -> memref<100xi32, #tpu.memory_space<vmem>>
    %dma_start3A_69 = arith.constant 0 : i32
    %dma_start3A_70 = arith.constant 0 : i32
    %dma_start3A_71 = tpu.memref_slice %arg3[%dma_start3A_69, %dma_start3A_70] : memref<100000x128xf32, #tpu.memory_space<hbm>> -> memref<100000x128xf32, #tpu.memory_space<hbm>>
    tpu.enqueue_indirect_dma source(%dma_start3A_71 : memref<100000x128xf32, #tpu.memory_space<hbm>>) target(%dma_start3A_65 : memref<100x128xf32, #tpu.memory_space<vmem>>) offsets(%dma_start3A_68 : memref<100xi32, #tpu.memory_space<vmem>>) semaphore(%arg17 : memref<!tpu.dma_semaphore, #tpu.memory_space<semaphore_mem>>)
    %dma_start3A_72 = arith.constant 1 : i32
    %dma_start3A_73 = arith.constant 100 : i32
    %dma_start3A_74 = arith.constant 0 : i32
    %dma_start3A_75 = tpu.memref_slice %arg10[%dma_start3A_73, %dma_start3A_74] : memref<200x128xf32, #tpu.memory_space<vmem>> -> memref<100x128xf32, #tpu.memory_space<vmem>>
    %dma_start3A_76 = arith.constant 0 : i32
    %dma_start3A_77 = tpu.memref_slice %arg7[%dma_start3A_72, %dma_start3A_76] : memref<2x100xi32, #tpu.memory_space<vmem>> -> memref<1x100xi32, #tpu.memory_space<vmem>>
    %dma_start3A_78 = tpu.memref_squeeze %dma_start3A_77 : memref<1x100xi32, #tpu.memory_space<vmem>> -> memref<100xi32, #tpu.memory_space<vmem>>
    %dma_start3A_79 = arith.constant 0 : i32
    %dma_start3A_80 = arith.constant 0 : i32
    %dma_start3A_81 = tpu.memref_slice %arg3[%dma_start3A_79, %dma_start3A_80] : memref<100000x128xf32, #tpu.memory_space<hbm>> -> memref<100000x128xf32, #tpu.memory_space<hbm>>
    tpu.enqueue_indirect_dma source(%dma_start3A_81 : memref<100000x128xf32, #tpu.memory_space<hbm>>) target(%dma_start3A_75 : memref<100x128xf32, #tpu.memory_space<vmem>>) offsets(%dma_start3A_78 : memref<100xi32, #tpu.memory_space<vmem>>) semaphore(%arg17 : memref<!tpu.dma_semaphore, #tpu.memory_space<semaphore_mem>>)
    %scan3A = arith.constant 0 : i32
    %scan3A_82 = arith.constant 0 : i32
    %scan3A_83 = arith.constant 42 : i32
    %scan3A_84 = arith.addi %scan3A_82, %scan3A_83 : i32
    %scan3A_85 = arith.constant 1 : i32
    scf.for %scan3A_173 = %scan3A_82 to %scan3A_84 step %scan3A_85  : i32 {
      %mul3A_174 = arith.constant 3 : i32
      %mul3A_175 = arith.muli %mul3A_174, %scan3A_173 : i32
      %dma_wait3A_176 = arith.constant 0 : i32
      %dma_wait3A_177 = arith.constant 0 : i32
      %dma_wait3A_178 = arith.constant 0 : i32
      %dma_wait3A_179 = tpu.memref_slice %arg9[%dma_wait3A_177, %dma_wait3A_178] : memref<200x128xf32, #tpu.memory_space<vmem>> -> memref<100x128xf32, #tpu.memory_space<vmem>>
      %dma_wait3A_180 = arith.constant 0 : i32
      %dma_wait3A_181 = tpu.memref_slice %arg6[%dma_wait3A_176, %dma_wait3A_180] : memref<2x100xi32, #tpu.memory_space<vmem>> -> memref<1x100xi32, #tpu.memory_space<vmem>>
      %dma_wait3A_182 = tpu.memref_squeeze %dma_wait3A_181 : memref<1x100xi32, #tpu.memory_space<vmem>> -> memref<100xi32, #tpu.memory_space<vmem>>
      %dma_wait3A_183 = arith.constant 0 : i32
      %dma_wait3A_184 = arith.constant 0 : i32
      %dma_wait3A_185 = tpu.memref_slice %arg3[%dma_wait3A_183, %dma_wait3A_184] : memref<100000x128xf32, #tpu.memory_space<hbm>> -> memref<100000x128xf32, #tpu.memory_space<hbm>>
      tpu.wait_indirect_dma semaphore(%arg16 : memref<!tpu.dma_semaphore, #tpu.memory_space<semaphore_mem>>) src(%dma_wait3A_185 : memref<100000x128xf32, #tpu.memory_space<hbm>>) dst(%dma_wait3A_179 : memref<100x128xf32, #tpu.memory_space<vmem>>)
      %dma_wait3A_186 = arith.constant 0 : i32
      %dma_wait3A_187 = arith.constant 100 : i32
      %dma_wait3A_188 = arith.constant 0 : i32
      %dma_wait3A_189 = tpu.memref_slice %arg9[%dma_wait3A_187, %dma_wait3A_188] : memref<200x128xf32, #tpu.memory_space<vmem>> -> memref<100x128xf32, #tpu.memory_space<vmem>>
      %dma_wait3A_190 = arith.constant 0 : i32
      %dma_wait3A_191 = tpu.memref_slice %arg6[%dma_wait3A_186, %dma_wait3A_190] : memref<2x100xi32, #tpu.memory_space<vmem>> -> memref<1x100xi32, #tpu.memory_space<vmem>>
      %dma_wait3A_192 = tpu.memref_squeeze %dma_wait3A_191 : memref<1x100xi32, #tpu.memory_space<vmem>> -> memref<100xi32, #tpu.memory_space<vmem>>
      %dma_wait3A_193 = arith.constant 0 : i32
      %dma_wait3A_194 = arith.constant 0 : i32
      %dma_wait3A_195 = tpu.memref_slice %arg3[%dma_wait3A_193, %dma_wait3A_194] : memref<100000x128xf32, #tpu.memory_space<hbm>> -> memref<100000x128xf32, #tpu.memory_space<hbm>>
      tpu.wait_indirect_dma semaphore(%arg16 : memref<!tpu.dma_semaphore, #tpu.memory_space<semaphore_mem>>) src(%dma_wait3A_195 : memref<100000x128xf32, #tpu.memory_space<hbm>>) dst(%dma_wait3A_189 : memref<100x128xf32, #tpu.memory_space<vmem>>)
      %add3A_196 = arith.constant 0 : i32
      %add3A_197 = arith.addi %mul3A_175, %add3A_196 : i32
      %add3A_198 = arith.constant 3 : i32
      %add3A_199 = arith.addi %add3A_197, %add3A_198 : i32
      %add3A_200 = arith.addi %mul3A_2, %add3A_199 : i32
      %min3A_201 = arith.constant 4095 : i32
      %min3A_202 = arith.minsi %add3A_200, %min3A_201 : i32
      %mul3A_203 = arith.constant 2 : i32
      %mul3A_204 = arith.muli %mul3A_203, %min3A_202 : i32
      %dma_start3A_205 = arith.constant 0 : i32
      %dma_start3A_206 = tpu.memref_slice %arg2[%mul3A_204, %dma_start3A_205] : memref<8192x100xi32, #tpu.memory_space<hbm>> -> memref<2x100xi32, #tpu.memory_space<hbm>>
      %dma_start3A_207 = arith.constant 0 : i32
      %dma_start3A_208 = tpu.memref_slice %arg2[%mul3A_204, %dma_start3A_207] : memref<8192x100xi32, #tpu.memory_space<hbm>> -> memref<2x100xi32, #tpu.memory_space<hbm>>
      tpu.enqueue_dma source(%dma_start3A_208 : memref<2x100xi32, #tpu.memory_space<hbm>>) target(%arg6 : memref<2x100xi32, #tpu.memory_space<vmem>>) target_semaphore(%arg13 : memref<!tpu.dma_semaphore, #tpu.memory_space<semaphore_mem>>)
      %scan3A_209 = arith.constant 0 : i32
      %scan3A_210 = arith.constant 0 : i32
      %scan3A_211 = arith.constant 200 : i32
      %scan3A_212 = arith.addi %scan3A_210, %scan3A_211 : i32
      %scan3A_213 = arith.constant 2 : i32
      scf.for %scan3A_424 = %scan3A_210 to %scan3A_212 step %scan3A_213  : i32 {
        %get3A = arith.index_cast %scan3A_424 : i32 to index
        %get3A_425 = arith.constant 0 : index
        %get3A_426 = tpu.vector_load %arg12[%get3A, %get3A_425] {strides = array<i32>} : memref<200x128xf32, #tpu.memory_space<vmem>>, vector<1x16xf32>,
        %get3A_427 = vector.shape_cast %get3A_426 : vector<1x16xf32> to vector<16xf32>
        %swap3A = arith.index_cast %scan3A_424 : i32 to index
        %swap3A_428 = arith.constant 0 : index
        %swap3A_429 = tpu.vector_load %arg9[%swap3A, %swap3A_428] {strides = array<i32>} : memref<200x128xf32, #tpu.memory_space<vmem>>, vector<1x16xf32>,
        %swap3A_430 = vector.shape_cast %swap3A_429 : vector<1x16xf32> to vector<16xf32>
        %swap3A_431 = vector.shape_cast %get3A_427 : vector<16xf32> to vector<1x16xf32>
        tpu.vector_store %arg9[%swap3A, %swap3A_428], %swap3A_431 {add = true, strides = array<i32>} : memref<200x128xf32, #tpu.memory_space<vmem>>, vector<1x16xf32>,
        %get3A_432 = arith.index_cast %scan3A_424 : i32 to index
        %get3A_433 = arith.constant 16 : index
        %get3A_434 = tpu.vector_load %arg12[%get3A_432, %get3A_433] {strides = array<i32>} : memref<200x128xf32, #tpu.memory_space<vmem>>, vector<1x16xf32>,
        %get3A_435 = vector.shape_cast %get3A_434 : vector<1x16xf32> to vector<16xf32>
        %swap3A_436 = arith.index_cast %scan3A_424 : i32 to index
        %swap3A_437 = arith.constant 16 : index
        %swap3A_438 = tpu.vector_load %arg9[%swap3A_436, %swap3A_437] {strides = array<i32>} : memref<200x128xf32, #tpu.memory_space<vmem>>, vector<1x16xf32>,
        %swap3A_439 = vector.shape_cast %swap3A_438 : vector<1x16xf32> to vector<16xf32>
        %swap3A_440 = vector.shape_cast %get3A_435 : vector<16xf32> to vector<1x16xf32>
        tpu.vector_store %arg9[%swap3A_436, %swap3A_437], %swap3A_440 {add = true, strides = array<i32>} : memref<200x128xf32, #tpu.memory_space<vmem>>, vector<1x16xf32>,
        %get3A_441 = arith.index_cast %scan3A_424 : i32 to index
        %get3A_442 = arith.constant 32 : index
        %get3A_443 = tpu.vector_load %arg12[%get3A_441, %get3A_442] {strides = array<i32>} : memref<200x128xf32, #tpu.memory_space<vmem>>, vector<1x16xf32>,
        %get3A_444 = vector.shape_cast %get3A_443 : vector<1x16xf32> to vector<16xf32>
        %swap3A_445 = arith.index_cast %scan3A_424 : i32 to index
        %swap3A_446 = arith.constant 32 : index
        %swap3A_447 = tpu.vector_load %arg9[%swap3A_445, %swap3A_446] {strides = array<i32>} : memref<200x128xf32, #tpu.memory_space<vmem>>, vector<1x16xf32>,
        %swap3A_448 = vector.shape_cast %swap3A_447 : vector<1x16xf32> to vector<16xf32>
        %swap3A_449 = vector.shape_cast %get3A_444 : vector<16xf32> to vector<1x16xf32>
        tpu.vector_store %arg9[%swap3A_445, %swap3A_446], %swap3A_449 {add = true, strides = array<i32>} : memref<200x128xf32, #tpu.memory_space<vmem>>, vector<1x16xf32>,
        %get3A_450 = arith.index_cast %scan3A_424 : i32 to index
        %get3A_451 = arith.constant 48 : index
        %get3A_452 = tpu.vector_load %arg12[%get3A_450, %get3A_451] {strides = array<i32>} : memref<200x128xf32, #tpu.memory_space<vmem>>, vector<1x16xf32>,
        %get3A_453 = vector.shape_cast %get3A_452 : vector<1x16xf32> to vector<16xf32>
        %swap3A_454 = arith.index_cast %scan3A_424 : i32 to index
        %swap3A_455 = arith.constant 48 : index
        %swap3A_456 = tpu.vector_load %arg9[%swap3A_454, %swap3A_455] {strides = array<i32>} : memref<200x128xf32, #tpu.memory_space<vmem>>, vector<1x16xf32>,
        %swap3A_457 = vector.shape_cast %swap3A_456 : vector<1x16xf32> to vector<16xf32>
        %swap3A_458 = vector.shape_cast %get3A_453 : vector<16xf32> to vector<1x16xf32>
        tpu.vector_store %arg9[%swap3A_454, %swap3A_455], %swap3A_458 {add = true, strides = array<i32>} : memref<200x128xf32, #tpu.memory_space<vmem>>, vector<1x16xf32>,
        %get3A_459 = arith.index_cast %scan3A_424 : i32 to index
        %get3A_460 = arith.constant 64 : index
        %get3A_461 = tpu.vector_load %arg12[%get3A_459, %get3A_460] {strides = array<i32>} : memref<200x128xf32, #tpu.memory_space<vmem>>, vector<1x16xf32>,
        %get3A_462 = vector.shape_cast %get3A_461 : vector<1x16xf32> to vector<16xf32>
        %swap3A_463 = arith.index_cast %scan3A_424 : i32 to index
        %swap3A_464 = arith.constant 64 : index
        %swap3A_465 = tpu.vector_load %arg9[%swap3A_463, %swap3A_464] {strides = array<i32>} : memref<200x128xf32, #tpu.memory_space<vmem>>, vector<1x16xf32>,
        %swap3A_466 = vector.shape_cast %swap3A_465 : vector<1x16xf32> to vector<16xf32>
        %swap3A_467 = vector.shape_cast %get3A_462 : vector<16xf32> to vector<1x16xf32>
        tpu.vector_store %arg9[%swap3A_463, %swap3A_464], %swap3A_467 {add = true, strides = array<i32>} : memref<200x128xf32, #tpu.memory_space<vmem>>, vector<1x16xf32>,
        %get3A_468 = arith.index_cast %scan3A_424 : i32 to index
        %get3A_469 = arith.constant 80 : index
        %get3A_470 = tpu.vector_load %arg12[%get3A_468, %get3A_469] {strides = array<i32>} : memref<200x128xf32, #tpu.memory_space<vmem>>, vector<1x16xf32>,
        %get3A_471 = vector.shape_cast %get3A_470 : vector<1x16xf32> to vector<16xf32>
        %swap3A_472 = arith.index_cast %scan3A_424 : i32 to index
        %swap3A_473 = arith.constant 80 : index
        %swap3A_474 = tpu.vector_load %arg9[%swap3A_472, %swap3A_473] {strides = array<i32>} : memref<200x128xf32, #tpu.memory_space<vmem>>, vector<1x16xf32>,
        %swap3A_475 = vector.shape_cast %swap3A_474 : vector<1x16xf32> to vector<16xf32>
        %swap3A_476 = vector.shape_cast %get3A_471 : vector<16xf32> to vector<1x16xf32>
        tpu.vector_store %arg9[%swap3A_472, %swap3A_473], %swap3A_476 {add = true, strides = array<i32>} : memref<200x128xf32, #tpu.memory_space<vmem>>, vector<1x16xf32>,
        %get3A_477 = arith.index_cast %scan3A_424 : i32 to index
        %get3A_478 = arith.constant 96 : index
        %get3A_479 = tpu.vector_load %arg12[%get3A_477, %get3A_478] {strides = array<i32>} : memref<200x128xf32, #tpu.memory_space<vmem>>, vector<1x16xf32>,
        %get3A_480 = vector.shape_cast %get3A_479 : vector<1x16xf32> to vector<16xf32>
        %swap3A_481 = arith.index_cast %scan3A_424 : i32 to index
        %swap3A_482 = arith.constant 96 : index
        %swap3A_483 = tpu.vector_load %arg9[%swap3A_481, %swap3A_482] {strides = array<i32>} : memref<200x128xf32, #tpu.memory_space<vmem>>, vector<1x16xf32>,
        %swap3A_484 = vector.shape_cast %swap3A_483 : vector<1x16xf32> to vector<16xf32>
        %swap3A_485 = vector.shape_cast %get3A_480 : vector<16xf32> to vector<1x16xf32>
        tpu.vector_store %arg9[%swap3A_481, %swap3A_482], %swap3A_485 {add = true, strides = array<i32>} : memref<200x128xf32, #tpu.memory_space<vmem>>, vector<1x16xf32>,
        %get3A_486 = arith.index_cast %scan3A_424 : i32 to index
        %get3A_487 = arith.constant 112 : index
        %get3A_488 = tpu.vector_load %arg12[%get3A_486, %get3A_487] {strides = array<i32>} : memref<200x128xf32, #tpu.memory_space<vmem>>, vector<1x16xf32>,
        %get3A_489 = vector.shape_cast %get3A_488 : vector<1x16xf32> to vector<16xf32>
        %swap3A_490 = arith.index_cast %scan3A_424 : i32 to index
        %swap3A_491 = arith.constant 112 : index
        %swap3A_492 = tpu.vector_load %arg9[%swap3A_490, %swap3A_491] {strides = array<i32>} : memref<200x128xf32, #tpu.memory_space<vmem>>, vector<1x16xf32>,
        %swap3A_493 = vector.shape_cast %swap3A_492 : vector<1x16xf32> to vector<16xf32>
        %swap3A_494 = vector.shape_cast %get3A_489 : vector<16xf32> to vector<1x16xf32>
        tpu.vector_store %arg9[%swap3A_490, %swap3A_491], %swap3A_494 {add = true, strides = array<i32>} : memref<200x128xf32, #tpu.memory_space<vmem>>, vector<1x16xf32>,
        %scan3A_495 = arith.constant 1 : i32
        %scan3A_496 = arith.addi %scan3A_424, %scan3A_495 : i32
        %get3A_497 = arith.index_cast %scan3A_496 : i32 to index
        %get3A_498 = arith.constant 0 : index
        %get3A_499 = tpu.vector_load %arg12[%get3A_497, %get3A_498] {strides = array<i32>} : memref<200x128xf32, #tpu.memory_space<vmem>>, vector<1x16xf32>,
        %get3A_500 = vector.shape_cast %get3A_499 : vector<1x16xf32> to vector<16xf32>
        %swap3A_501 = arith.index_cast %scan3A_496 : i32 to index
        %swap3A_502 = arith.constant 0 : index
        %swap3A_503 = tpu.vector_load %arg9[%swap3A_501, %swap3A_502] {strides = array<i32>} : memref<200x128xf32, #tpu.memory_space<vmem>>, vector<1x16xf32>,
        %swap3A_504 = vector.shape_cast %swap3A_503 : vector<1x16xf32> to vector<16xf32>
        %swap3A_505 = vector.shape_cast %get3A_500 : vector<16xf32> to vector<1x16xf32>
        tpu.vector_store %arg9[%swap3A_501, %swap3A_502], %swap3A_505 {add = true, strides = array<i32>} : memref<200x128xf32, #tpu.memory_space<vmem>>, vector<1x16xf32>,
        %get3A_506 = arith.index_cast %scan3A_496 : i32 to index
        %get3A_507 = arith.constant 16 : index
        %get3A_508 = tpu.vector_load %arg12[%get3A_506, %get3A_507] {strides = array<i32>} : memref<200x128xf32, #tpu.memory_space<vmem>>, vector<1x16xf32>,
        %get3A_509 = vector.shape_cast %get3A_508 : vector<1x16xf32> to vector<16xf32>
        %swap3A_510 = arith.index_cast %scan3A_496 : i32 to index
        %swap3A_511 = arith.constant 16 : index
        %swap3A_512 = tpu.vector_load %arg9[%swap3A_510, %swap3A_511] {strides = array<i32>} : memref<200x128xf32, #tpu.memory_space<vmem>>, vector<1x16xf32>,
        %swap3A_513 = vector.shape_cast %swap3A_512 : vector<1x16xf32> to vector<16xf32>
        %swap3A_514 = vector.shape_cast %get3A_509 : vector<16xf32> to vector<1x16xf32>
        tpu.vector_store %arg9[%swap3A_510, %swap3A_511], %swap3A_514 {add = true, strides = array<i32>} : memref<200x128xf32, #tpu.memory_space<vmem>>, vector<1x16xf32>,
        %get3A_515 = arith.index_cast %scan3A_496 : i32 to index
        %get3A_516 = arith.constant 32 : index
        %get3A_517 = tpu.vector_load %arg12[%get3A_515, %get3A_516] {strides = array<i32>} : memref<200x128xf32, #tpu.memory_space<vmem>>, vector<1x16xf32>,
        %get3A_518 = vector.shape_cast %get3A_517 : vector<1x16xf32> to vector<16xf32>
        %swap3A_519 = arith.index_cast %scan3A_496 : i32 to index
        %swap3A_520 = arith.constant 32 : index
        %swap3A_521 = tpu.vector_load %arg9[%swap3A_519, %swap3A_520] {strides = array<i32>} : memref<200x128xf32, #tpu.memory_space<vmem>>, vector<1x16xf32>,
        %swap3A_522 = vector.shape_cast %swap3A_521 : vector<1x16xf32> to vector<16xf32>
        %swap3A_523 = vector.shape_cast %get3A_518 : vector<16xf32> to vector<1x16xf32>
        tpu.vector_store %arg9[%swap3A_519, %swap3A_520], %swap3A_523 {add = true, strides = array<i32>} : memref<200x128xf32, #tpu.memory_space<vmem>>, vector<1x16xf32>,
        %get3A_524 = arith.index_cast %scan3A_496 : i32 to index
        %get3A_525 = arith.constant 48 : index
        %get3A_526 = tpu.vector_load %arg12[%get3A_524, %get3A_525] {strides = array<i32>} : memref<200x128xf32, #tpu.memory_space<vmem>>, vector<1x16xf32>,
        %get3A_527 = vector.shape_cast %get3A_526 : vector<1x16xf32> to vector<16xf32>
        %swap3A_528 = arith.index_cast %scan3A_496 : i32 to index
        %swap3A_529 = arith.constant 48 : index
        %swap3A_530 = tpu.vector_load %arg9[%swap3A_528, %swap3A_529] {strides = array<i32>} : memref<200x128xf32, #tpu.memory_space<vmem>>, vector<1x16xf32>,
        %swap3A_531 = vector.shape_cast %swap3A_530 : vector<1x16xf32> to vector<16xf32>
        %swap3A_532 = vector.shape_cast %get3A_527 : vector<16xf32> to vector<1x16xf32>
        tpu.vector_store %arg9[%swap3A_528, %swap3A_529], %swap3A_532 {add = true, strides = array<i32>} : memref<200x128xf32, #tpu.memory_space<vmem>>, vector<1x16xf32>,
        %get3A_533 = arith.index_cast %scan3A_496 : i32 to index
        %get3A_534 = arith.constant 64 : index
        %get3A_535 = tpu.vector_load %arg12[%get3A_533, %get3A_534] {strides = array<i32>} : memref<200x128xf32, #tpu.memory_space<vmem>>, vector<1x16xf32>,
        %get3A_536 = vector.shape_cast %get3A_535 : vector<1x16xf32> to vector<16xf32>
        %swap3A_537 = arith.index_cast %scan3A_496 : i32 to index
        %swap3A_538 = arith.constant 64 : index
        %swap3A_539 = tpu.vector_load %arg9[%swap3A_537, %swap3A_538] {strides = array<i32>} : memref<200x128xf32, #tpu.memory_space<vmem>>, vector<1x16xf32>,
        %swap3A_540 = vector.shape_cast %swap3A_539 : vector<1x16xf32> to vector<16xf32>
        %swap3A_541 = vector.shape_cast %get3A_536 : vector<16xf32> to vector<1x16xf32>
        tpu.vector_store %arg9[%swap3A_537, %swap3A_538], %swap3A_541 {add = true, strides = array<i32>} : memref<200x128xf32, #tpu.memory_space<vmem>>, vector<1x16xf32>,
        %get3A_542 = arith.index_cast %scan3A_496 : i32 to index
        %get3A_543 = arith.constant 80 : index
        %get3A_544 = tpu.vector_load %arg12[%get3A_542, %get3A_543] {strides = array<i32>} : memref<200x128xf32, #tpu.memory_space<vmem>>, vector<1x16xf32>,
        %get3A_545 = vector.shape_cast %get3A_544 : vector<1x16xf32> to vector<16xf32>
        %swap3A_546 = arith.index_cast %scan3A_496 : i32 to index
        %swap3A_547 = arith.constant 80 : index
        %swap3A_548 = tpu.vector_load %arg9[%swap3A_546, %swap3A_547] {strides = array<i32>} : memref<200x128xf32, #tpu.memory_space<vmem>>, vector<1x16xf32>,
        %swap3A_549 = vector.shape_cast %swap3A_548 : vector<1x16xf32> to vector<16xf32>
        %swap3A_550 = vector.shape_cast %get3A_545 : vector<16xf32> to vector<1x16xf32>
        tpu.vector_store %arg9[%swap3A_546, %swap3A_547], %swap3A_550 {add = true, strides = array<i32>} : memref<200x128xf32, #tpu.memory_space<vmem>>, vector<1x16xf32>,
        %get3A_551 = arith.index_cast %scan3A_496 : i32 to index
        %get3A_552 = arith.constant 96 : index
        %get3A_553 = tpu.vector_load %arg12[%get3A_551, %get3A_552] {strides = array<i32>} : memref<200x128xf32, #tpu.memory_space<vmem>>, vector<1x16xf32>,
        %get3A_554 = vector.shape_cast %get3A_553 : vector<1x16xf32> to vector<16xf32>
        %swap3A_555 = arith.index_cast %scan3A_496 : i32 to index
        %swap3A_556 = arith.constant 96 : index
        %swap3A_557 = tpu.vector_load %arg9[%swap3A_555, %swap3A_556] {strides = array<i32>} : memref<200x128xf32, #tpu.memory_space<vmem>>, vector<1x16xf32>,
        %swap3A_558 = vector.shape_cast %swap3A_557 : vector<1x16xf32> to vector<16xf32>
        %swap3A_559 = vector.shape_cast %get3A_554 : vector<16xf32> to vector<1x16xf32>
        tpu.vector_store %arg9[%swap3A_555, %swap3A_556], %swap3A_559 {add = true, strides = array<i32>} : memref<200x128xf32, #tpu.memory_space<vmem>>, vector<1x16xf32>,
        %get3A_560 = arith.index_cast %scan3A_496 : i32 to index
        %get3A_561 = arith.constant 112 : index
        %get3A_562 = tpu.vector_load %arg12[%get3A_560, %get3A_561] {strides = array<i32>} : memref<200x128xf32, #tpu.memory_space<vmem>>, vector<1x16xf32>,
        %get3A_563 = vector.shape_cast %get3A_562 : vector<1x16xf32> to vector<16xf32>
        %swap3A_564 = arith.index_cast %scan3A_496 : i32 to index
        %swap3A_565 = arith.constant 112 : index
        %swap3A_566 = tpu.vector_load %arg9[%swap3A_564, %swap3A_565] {strides = array<i32>} : memref<200x128xf32, #tpu.memory_space<vmem>>, vector<1x16xf32>,
        %swap3A_567 = vector.shape_cast %swap3A_566 : vector<1x16xf32> to vector<16xf32>
        %swap3A_568 = vector.shape_cast %get3A_563 : vector<16xf32> to vector<1x16xf32>
        tpu.vector_store %arg9[%swap3A_564, %swap3A_565], %swap3A_568 {add = true, strides = array<i32>} : memref<200x128xf32, #tpu.memory_space<vmem>>, vector<1x16xf32>,
      }
      %scan3A_214 = arith.constant 200 : i32
      %add3A_215 = arith.constant 0 : i32
      %add3A_216 = arith.addi %mul3A_175, %add3A_215 : i32
      %add3A_217 = arith.addi %mul3A_2, %add3A_216 : i32
      %mul3A_218 = arith.constant 200 : i32
      %mul3A_219 = arith.muli %add3A_217, %mul3A_218 : i32
      %dma_start3A_220 = arith.constant 0 : i32
      %dma_start3A_221 = tpu.memref_slice %arg5[%mul3A_219, %dma_start3A_220] : memref<819200x128xf32, #tpu.memory_space<hbm>> -> memref<200x128xf32, #tpu.memory_space<hbm>>
      %dma_start3A_222 = arith.constant 0 : i32
      %dma_start3A_223 = tpu.memref_slice %arg5[%mul3A_219, %dma_start3A_222] : memref<819200x128xf32, #tpu.memory_space<hbm>> -> memref<200x128xf32, #tpu.memory_space<hbm>>
      tpu.enqueue_dma source(%arg9 : memref<200x128xf32, #tpu.memory_space<vmem>>) target(%dma_start3A_223 : memref<200x128xf32, #tpu.memory_space<hbm>>) target_semaphore(%arg19 : memref<!tpu.dma_semaphore, #tpu.memory_space<semaphore_mem>>)
      %dma_wait3A_224 = arith.constant 0 : i32
      %dma_wait3A_225 = arith.constant 0 : i32
      %dma_wait3A_226 = tpu.memref_slice %arg2[%dma_wait3A_224, %dma_wait3A_225] : memref<8192x100xi32, #tpu.memory_space<hbm>> -> memref<2x100xi32, #tpu.memory_space<hbm>>
      %dma_wait3A_227 = arith.constant 0 : i32
      %dma_wait3A_228 = arith.constant 0 : i32
      %dma_wait3A_229 = tpu.memref_slice %arg2[%dma_wait3A_227, %dma_wait3A_228] : memref<8192x100xi32, #tpu.memory_space<hbm>> -> memref<2x100xi32, #tpu.memory_space<hbm>>
      tpu.wait_dma2 semaphore(%arg15 : memref<!tpu.dma_semaphore, #tpu.memory_space<semaphore_mem>>) src(%dma_wait3A_229 : memref<2x100xi32, #tpu.memory_space<hbm>>) dst(%arg8 : memref<2x100xi32, #tpu.memory_space<vmem>>)
      %gt3A = arith.constant 0 : i32
      %gt3A_230 = arith.cmpi sgt, %scan3A_173, %gt3A : i32
      %convert_element_type3A = arith.extui %gt3A_230 : i1 to i32
      %cond3A = arith.constant 0 : i32
      %cond3A_231 = arith.cmpi ne, %convert_element_type3A, %cond3A : i32
      scf.if %cond3A_231 {
        %dma_wait3A_424 = arith.constant 0 : i32
        %dma_wait3A_425 = arith.constant 0 : i32
        %dma_wait3A_426 = tpu.memref_slice %arg5[%dma_wait3A_424, %dma_wait3A_425] : memref<819200x128xf32, #tpu.memory_space<hbm>> -> memref<200x128xf32, #tpu.memory_space<hbm>>
        %dma_wait3A_427 = arith.constant 0 : i32
        %dma_wait3A_428 = arith.constant 0 : i32
        %dma_wait3A_429 = tpu.memref_slice %arg5[%dma_wait3A_427, %dma_wait3A_428] : memref<819200x128xf32, #tpu.memory_space<hbm>> -> memref<200x128xf32, #tpu.memory_space<hbm>>
        tpu.wait_dma2 semaphore(%arg21 : memref<!tpu.dma_semaphore, #tpu.memory_space<semaphore_mem>>) src(%arg11 : memref<200x128xf32, #tpu.memory_space<vmem>>) dst(%dma_wait3A_429 : memref<200x128xf32, #tpu.memory_space<hbm>>)
      } else {
      }
      %add3A_232 = arith.constant 0 : i32
      %add3A_233 = arith.addi %mul3A_175, %add3A_232 : i32
      %add3A_234 = arith.constant 2 : i32
      %add3A_235 = arith.addi %add3A_233, %add3A_234 : i32
      %dma_start3A_236 = arith.constant 0 : i32
      %dma_start3A_237 = arith.constant 0 : i32
      %dma_start3A_238 = arith.constant 0 : i32
      %dma_start3A_239 = tpu.memref_slice %arg11[%dma_start3A_237, %dma_start3A_238] : memref<200x128xf32, #tpu.memory_space<vmem>> -> memref<100x128xf32, #tpu.memory_space<vmem>>
      %dma_start3A_240 = arith.constant 0 : i32
      %dma_start3A_241 = tpu.memref_slice %arg8[%dma_start3A_236, %dma_start3A_240] : memref<2x100xi32, #tpu.memory_space<vmem>> -> memref<1x100xi32, #tpu.memory_space<vmem>>
      %dma_start3A_242 = tpu.memref_squeeze %dma_start3A_241 : memref<1x100xi32, #tpu.memory_space<vmem>> -> memref<100xi32, #tpu.memory_space<vmem>>
      %dma_start3A_243 = arith.constant 0 : i32
      %dma_start3A_244 = arith.constant 0 : i32
      %dma_start3A_245 = tpu.memref_slice %arg3[%dma_start3A_243, %dma_start3A_244] : memref<100000x128xf32, #tpu.memory_space<hbm>> -> memref<100000x128xf32, #tpu.memory_space<hbm>>
      tpu.enqueue_indirect_dma source(%dma_start3A_245 : memref<100000x128xf32, #tpu.memory_space<hbm>>) target(%dma_start3A_239 : memref<100x128xf32, #tpu.memory_space<vmem>>) offsets(%dma_start3A_242 : memref<100xi32, #tpu.memory_space<vmem>>) semaphore(%arg18 : memref<!tpu.dma_semaphore, #tpu.memory_space<semaphore_mem>>)
      %dma_start3A_246 = arith.constant 1 : i32
      %dma_start3A_247 = arith.constant 100 : i32
      %dma_start3A_248 = arith.constant 0 : i32
      %dma_start3A_249 = tpu.memref_slice %arg11[%dma_start3A_247, %dma_start3A_248] : memref<200x128xf32, #tpu.memory_space<vmem>> -> memref<100x128xf32, #tpu.memory_space<vmem>>
      %dma_start3A_250 = arith.constant 0 : i32
      %dma_start3A_251 = tpu.memref_slice %arg8[%dma_start3A_246, %dma_start3A_250] : memref<2x100xi32, #tpu.memory_space<vmem>> -> memref<1x100xi32, #tpu.memory_space<vmem>>
      %dma_start3A_252 = tpu.memref_squeeze %dma_start3A_251 : memref<1x100xi32, #tpu.memory_space<vmem>> -> memref<100xi32, #tpu.memory_space<vmem>>
      %dma_start3A_253 = arith.constant 0 : i32
      %dma_start3A_254 = arith.constant 0 : i32
      %dma_start3A_255 = tpu.memref_slice %arg3[%dma_start3A_253, %dma_start3A_254] : memref<100000x128xf32, #tpu.memory_space<hbm>> -> memref<100000x128xf32, #tpu.memory_space<hbm>>
      tpu.enqueue_indirect_dma source(%dma_start3A_255 : memref<100000x128xf32, #tpu.memory_space<hbm>>) target(%dma_start3A_249 : memref<100x128xf32, #tpu.memory_space<vmem>>) offsets(%dma_start3A_252 : memref<100xi32, #tpu.memory_space<vmem>>) semaphore(%arg18 : memref<!tpu.dma_semaphore, #tpu.memory_space<semaphore_mem>>)
      %dma_wait3A_256 = arith.constant 0 : i32
      %dma_wait3A_257 = arith.constant 0 : i32
      %dma_wait3A_258 = arith.constant 0 : i32
      %dma_wait3A_259 = tpu.memref_slice %arg10[%dma_wait3A_257, %dma_wait3A_258] : memref<200x128xf32, #tpu.memory_space<vmem>> -> memref<100x128xf32, #tpu.memory_space<vmem>>
      %dma_wait3A_260 = arith.constant 0 : i32
      %dma_wait3A_261 = tpu.memref_slice %arg7[%dma_wait3A_256, %dma_wait3A_260] : memref<2x100xi32, #tpu.memory_space<vmem>> -> memref<1x100xi32, #tpu.memory_space<vmem>>
      %dma_wait3A_262 = tpu.memref_squeeze %dma_wait3A_261 : memref<1x100xi32, #tpu.memory_space<vmem>> -> memref<100xi32, #tpu.memory_space<vmem>>
      %dma_wait3A_263 = arith.constant 0 : i32
      %dma_wait3A_264 = arith.constant 0 : i32
      %dma_wait3A_265 = tpu.memref_slice %arg3[%dma_wait3A_263, %dma_wait3A_264] : memref<100000x128xf32, #tpu.memory_space<hbm>> -> memref<100000x128xf32, #tpu.memory_space<hbm>>
      tpu.wait_indirect_dma semaphore(%arg17 : memref<!tpu.dma_semaphore, #tpu.memory_space<semaphore_mem>>) src(%dma_wait3A_265 : memref<100000x128xf32, #tpu.memory_space<hbm>>) dst(%dma_wait3A_259 : memref<100x128xf32, #tpu.memory_space<vmem>>)
      %dma_wait3A_266 = arith.constant 0 : i32
      %dma_wait3A_267 = arith.constant 100 : i32
      %dma_wait3A_268 = arith.constant 0 : i32
      %dma_wait3A_269 = tpu.memref_slice %arg10[%dma_wait3A_267, %dma_wait3A_268] : memref<200x128xf32, #tpu.memory_space<vmem>> -> memref<100x128xf32, #tpu.memory_space<vmem>>
      %dma_wait3A_270 = arith.constant 0 : i32
      %dma_wait3A_271 = tpu.memref_slice %arg7[%dma_wait3A_266, %dma_wait3A_270] : memref<2x100xi32, #tpu.memory_space<vmem>> -> memref<1x100xi32, #tpu.memory_space<vmem>>
      %dma_wait3A_272 = tpu.memref_squeeze %dma_wait3A_271 : memref<1x100xi32, #tpu.memory_space<vmem>> -> memref<100xi32, #tpu.memory_space<vmem>>
      %dma_wait3A_273 = arith.constant 0 : i32
      %dma_wait3A_274 = arith.constant 0 : i32
      %dma_wait3A_275 = tpu.memref_slice %arg3[%dma_wait3A_273, %dma_wait3A_274] : memref<100000x128xf32, #tpu.memory_space<hbm>> -> memref<100000x128xf32, #tpu.memory_space<hbm>>
      tpu.wait_indirect_dma semaphore(%arg17 : memref<!tpu.dma_semaphore, #tpu.memory_space<semaphore_mem>>) src(%dma_wait3A_275 : memref<100000x128xf32, #tpu.memory_space<hbm>>) dst(%dma_wait3A_269 : memref<100x128xf32, #tpu.memory_space<vmem>>)
      %add3A_276 = arith.constant 1 : i32
      %add3A_277 = arith.addi %mul3A_175, %add3A_276 : i32
      %add3A_278 = arith.constant 3 : i32
      %add3A_279 = arith.addi %add3A_277, %add3A_278 : i32
      %add3A_280 = arith.addi %mul3A_2, %add3A_279 : i32
      %min3A_281 = arith.constant 4095 : i32
      %min3A_282 = arith.minsi %add3A_280, %min3A_281 : i32
      %mul3A_283 = arith.constant 2 : i32
      %mul3A_284 = arith.muli %mul3A_283, %min3A_282 : i32
      %dma_start3A_285 = arith.constant 0 : i32
      %dma_start3A_286 = tpu.memref_slice %arg2[%mul3A_284, %dma_start3A_285] : memref<8192x100xi32, #tpu.memory_space<hbm>> -> memref<2x100xi32, #tpu.memory_space<hbm>>
      %dma_start3A_287 = arith.constant 0 : i32
      %dma_start3A_288 = tpu.memref_slice %arg2[%mul3A_284, %dma_start3A_287] : memref<8192x100xi32, #tpu.memory_space<hbm>> -> memref<2x100xi32, #tpu.memory_space<hbm>>
      tpu.enqueue_dma source(%dma_start3A_288 : memref<2x100xi32, #tpu.memory_space<hbm>>) target(%arg7 : memref<2x100xi32, #tpu.memory_space<vmem>>) target_semaphore(%arg14 : memref<!tpu.dma_semaphore, #tpu.memory_space<semaphore_mem>>)
      %scan3A_289 = arith.constant 0 : i32
      %scan3A_290 = arith.constant 0 : i32
      %scan3A_291 = arith.constant 200 : i32
      %scan3A_292 = arith.addi %scan3A_290, %scan3A_291 : i32
      %scan3A_293 = arith.constant 2 : i32
      scf.for %scan3A_424 = %scan3A_290 to %scan3A_292 step %scan3A_293  : i32 {
        %get3A = arith.index_cast %scan3A_424 : i32 to index
        %get3A_425 = arith.constant 0 : index
        %get3A_426 = tpu.vector_load %arg12[%get3A, %get3A_425] {strides = array<i32>} : memref<200x128xf32, #tpu.memory_space<vmem>>, vector<1x16xf32>,
        %get3A_427 = vector.shape_cast %get3A_426 : vector<1x16xf32> to vector<16xf32>
        %swap3A = arith.index_cast %scan3A_424 : i32 to index
        %swap3A_428 = arith.constant 0 : index
        %swap3A_429 = tpu.vector_load %arg10[%swap3A, %swap3A_428] {strides = array<i32>} : memref<200x128xf32, #tpu.memory_space<vmem>>, vector<1x16xf32>,
        %swap3A_430 = vector.shape_cast %swap3A_429 : vector<1x16xf32> to vector<16xf32>
        %swap3A_431 = vector.shape_cast %get3A_427 : vector<16xf32> to vector<1x16xf32>
        tpu.vector_store %arg10[%swap3A, %swap3A_428], %swap3A_431 {add = true, strides = array<i32>} : memref<200x128xf32, #tpu.memory_space<vmem>>, vector<1x16xf32>,
        %get3A_432 = arith.index_cast %scan3A_424 : i32 to index
        %get3A_433 = arith.constant 16 : index
        %get3A_434 = tpu.vector_load %arg12[%get3A_432, %get3A_433] {strides = array<i32>} : memref<200x128xf32, #tpu.memory_space<vmem>>, vector<1x16xf32>,
        %get3A_435 = vector.shape_cast %get3A_434 : vector<1x16xf32> to vector<16xf32>
        %swap3A_436 = arith.index_cast %scan3A_424 : i32 to index
        %swap3A_437 = arith.constant 16 : index
        %swap3A_438 = tpu.vector_load %arg10[%swap3A_436, %swap3A_437] {strides = array<i32>} : memref<200x128xf32, #tpu.memory_space<vmem>>, vector<1x16xf32>,
        %swap3A_439 = vector.shape_cast %swap3A_438 : vector<1x16xf32> to vector<16xf32>
        %swap3A_440 = vector.shape_cast %get3A_435 : vector<16xf32> to vector<1x16xf32>
        tpu.vector_store %arg10[%swap3A_436, %swap3A_437], %swap3A_440 {add = true, strides = array<i32>} : memref<200x128xf32, #tpu.memory_space<vmem>>, vector<1x16xf32>,
        %get3A_441 = arith.index_cast %scan3A_424 : i32 to index
        %get3A_442 = arith.constant 32 : index
        %get3A_443 = tpu.vector_load %arg12[%get3A_441, %get3A_442] {strides = array<i32>} : memref<200x128xf32, #tpu.memory_space<vmem>>, vector<1x16xf32>,
        %get3A_444 = vector.shape_cast %get3A_443 : vector<1x16xf32> to vector<16xf32>
        %swap3A_445 = arith.index_cast %scan3A_424 : i32 to index
        %swap3A_446 = arith.constant 32 : index
        %swap3A_447 = tpu.vector_load %arg10[%swap3A_445, %swap3A_446] {strides = array<i32>} : memref<200x128xf32, #tpu.memory_space<vmem>>, vector<1x16xf32>,
        %swap3A_448 = vector.shape_cast %swap3A_447 : vector<1x16xf32> to vector<16xf32>
        %swap3A_449 = vector.shape_cast %get3A_444 : vector<16xf32> to vector<1x16xf32>
        tpu.vector_store %arg10[%swap3A_445, %swap3A_446], %swap3A_449 {add = true, strides = array<i32>} : memref<200x128xf32, #tpu.memory_space<vmem>>, vector<1x16xf32>,
        %get3A_450 = arith.index_cast %scan3A_424 : i32 to index
        %get3A_451 = arith.constant 48 : index
        %get3A_452 = tpu.vector_load %arg12[%get3A_450, %get3A_451] {strides = array<i32>} : memref<200x128xf32, #tpu.memory_space<vmem>>, vector<1x16xf32>,
        %get3A_453 = vector.shape_cast %get3A_452 : vector<1x16xf32> to vector<16xf32>
        %swap3A_454 = arith.index_cast %scan3A_424 : i32 to index
        %swap3A_455 = arith.constant 48 : index
        %swap3A_456 = tpu.vector_load %arg10[%swap3A_454, %swap3A_455] {strides = array<i32>} : memref<200x128xf32, #tpu.memory_space<vmem>>, vector<1x16xf32>,
        %swap3A_457 = vector.shape_cast %swap3A_456 : vector<1x16xf32> to vector<16xf32>
        %swap3A_458 = vector.shape_cast %get3A_453 : vector<16xf32> to vector<1x16xf32>
        tpu.vector_store %arg10[%swap3A_454, %swap3A_455], %swap3A_458 {add = true, strides = array<i32>} : memref<200x128xf32, #tpu.memory_space<vmem>>, vector<1x16xf32>,
        %get3A_459 = arith.index_cast %scan3A_424 : i32 to index
        %get3A_460 = arith.constant 64 : index
        %get3A_461 = tpu.vector_load %arg12[%get3A_459, %get3A_460] {strides = array<i32>} : memref<200x128xf32, #tpu.memory_space<vmem>>, vector<1x16xf32>,
        %get3A_462 = vector.shape_cast %get3A_461 : vector<1x16xf32> to vector<16xf32>
        %swap3A_463 = arith.index_cast %scan3A_424 : i32 to index
        %swap3A_464 = arith.constant 64 : index
        %swap3A_465 = tpu.vector_load %arg10[%swap3A_463, %swap3A_464] {strides = array<i32>} : memref<200x128xf32, #tpu.memory_space<vmem>>, vector<1x16xf32>,
        %swap3A_466 = vector.shape_cast %swap3A_465 : vector<1x16xf32> to vector<16xf32>
        %swap3A_467 = vector.shape_cast %get3A_462 : vector<16xf32> to vector<1x16xf32>
        tpu.vector_store %arg10[%swap3A_463, %swap3A_464], %swap3A_467 {add = true, strides = array<i32>} : memref<200x128xf32, #tpu.memory_space<vmem>>, vector<1x16xf32>,
        %get3A_468 = arith.index_cast %scan3A_424 : i32 to index
        %get3A_469 = arith.constant 80 : index
        %get3A_470 = tpu.vector_load %arg12[%get3A_468, %get3A_469] {strides = array<i32>} : memref<200x128xf32, #tpu.memory_space<vmem>>, vector<1x16xf32>,
        %get3A_471 = vector.shape_cast %get3A_470 : vector<1x16xf32> to vector<16xf32>
        %swap3A_472 = arith.index_cast %scan3A_424 : i32 to index
        %swap3A_473 = arith.constant 80 : index
        %swap3A_474 = tpu.vector_load %arg10[%swap3A_472, %swap3A_473] {strides = array<i32>} : memref<200x128xf32, #tpu.memory_space<vmem>>, vector<1x16xf32>,
        %swap3A_475 = vector.shape_cast %swap3A_474 : vector<1x16xf32> to vector<16xf32>
        %swap3A_476 = vector.shape_cast %get3A_471 : vector<16xf32> to vector<1x16xf32>
        tpu.vector_store %arg10[%swap3A_472, %swap3A_473], %swap3A_476 {add = true, strides = array<i32>} : memref<200x128xf32, #tpu.memory_space<vmem>>, vector<1x16xf32>,
        %get3A_477 = arith.index_cast %scan3A_424 : i32 to index
        %get3A_478 = arith.constant 96 : index
        %get3A_479 = tpu.vector_load %arg12[%get3A_477, %get3A_478] {strides = array<i32>} : memref<200x128xf32, #tpu.memory_space<vmem>>, vector<1x16xf32>,
        %get3A_480 = vector.shape_cast %get3A_479 : vector<1x16xf32> to vector<16xf32>
        %swap3A_481 = arith.index_cast %scan3A_424 : i32 to index
        %swap3A_482 = arith.constant 96 : index
        %swap3A_483 = tpu.vector_load %arg10[%swap3A_481, %swap3A_482] {strides = array<i32>} : memref<200x128xf32, #tpu.memory_space<vmem>>, vector<1x16xf32>,
        %swap3A_484 = vector.shape_cast %swap3A_483 : vector<1x16xf32> to vector<16xf32>
        %swap3A_485 = vector.shape_cast %get3A_480 : vector<16xf32> to vector<1x16xf32>
        tpu.vector_store %arg10[%swap3A_481, %swap3A_482], %swap3A_485 {add = true, strides = array<i32>} : memref<200x128xf32, #tpu.memory_space<vmem>>, vector<1x16xf32>,
        %get3A_486 = arith.index_cast %scan3A_424 : i32 to index
        %get3A_487 = arith.constant 112 : index
        %get3A_488 = tpu.vector_load %arg12[%get3A_486, %get3A_487] {strides = array<i32>} : memref<200x128xf32, #tpu.memory_space<vmem>>, vector<1x16xf32>,
        %get3A_489 = vector.shape_cast %get3A_488 : vector<1x16xf32> to vector<16xf32>
        %swap3A_490 = arith.index_cast %scan3A_424 : i32 to index
        %swap3A_491 = arith.constant 112 : index
        %swap3A_492 = tpu.vector_load %arg10[%swap3A_490, %swap3A_491] {strides = array<i32>} : memref<200x128xf32, #tpu.memory_space<vmem>>, vector<1x16xf32>,
        %swap3A_493 = vector.shape_cast %swap3A_492 : vector<1x16xf32> to vector<16xf32>
        %swap3A_494 = vector.shape_cast %get3A_489 : vector<16xf32> to vector<1x16xf32>
        tpu.vector_store %arg10[%swap3A_490, %swap3A_491], %swap3A_494 {add = true, strides = array<i32>} : memref<200x128xf32, #tpu.memory_space<vmem>>, vector<1x16xf32>,
        %scan3A_495 = arith.constant 1 : i32
        %scan3A_496 = arith.addi %scan3A_424, %scan3A_495 : i32
        %get3A_497 = arith.index_cast %scan3A_496 : i32 to index
        %get3A_498 = arith.constant 0 : index
        %get3A_499 = tpu.vector_load %arg12[%get3A_497, %get3A_498] {strides = array<i32>} : memref<200x128xf32, #tpu.memory_space<vmem>>, vector<1x16xf32>,
        %get3A_500 = vector.shape_cast %get3A_499 : vector<1x16xf32> to vector<16xf32>
        %swap3A_501 = arith.index_cast %scan3A_496 : i32 to index
        %swap3A_502 = arith.constant 0 : index
        %swap3A_503 = tpu.vector_load %arg10[%swap3A_501, %swap3A_502] {strides = array<i32>} : memref<200x128xf32, #tpu.memory_space<vmem>>, vector<1x16xf32>,
        %swap3A_504 = vector.shape_cast %swap3A_503 : vector<1x16xf32> to vector<16xf32>
        %swap3A_505 = vector.shape_cast %get3A_500 : vector<16xf32> to vector<1x16xf32>
        tpu.vector_store %arg10[%swap3A_501, %swap3A_502], %swap3A_505 {add = true, strides = array<i32>} : memref<200x128xf32, #tpu.memory_space<vmem>>, vector<1x16xf32>,
        %get3A_506 = arith.index_cast %scan3A_496 : i32 to index
        %get3A_507 = arith.constant 16 : index
        %get3A_508 = tpu.vector_load %arg12[%get3A_506, %get3A_507] {strides = array<i32>} : memref<200x128xf32, #tpu.memory_space<vmem>>, vector<1x16xf32>,
        %get3A_509 = vector.shape_cast %get3A_508 : vector<1x16xf32> to vector<16xf32>
        %swap3A_510 = arith.index_cast %scan3A_496 : i32 to index
        %swap3A_511 = arith.constant 16 : index
        %swap3A_512 = tpu.vector_load %arg10[%swap3A_510, %swap3A_511] {strides = array<i32>} : memref<200x128xf32, #tpu.memory_space<vmem>>, vector<1x16xf32>,
        %swap3A_513 = vector.shape_cast %swap3A_512 : vector<1x16xf32> to vector<16xf32>
        %swap3A_514 = vector.shape_cast %get3A_509 : vector<16xf32> to vector<1x16xf32>
        tpu.vector_store %arg10[%swap3A_510, %swap3A_511], %swap3A_514 {add = true, strides = array<i32>} : memref<200x128xf32, #tpu.memory_space<vmem>>, vector<1x16xf32>,
        %get3A_515 = arith.index_cast %scan3A_496 : i32 to index
        %get3A_516 = arith.constant 32 : index
        %get3A_517 = tpu.vector_load %arg12[%get3A_515, %get3A_516] {strides = array<i32>} : memref<200x128xf32, #tpu.memory_space<vmem>>, vector<1x16xf32>,
        %get3A_518 = vector.shape_cast %get3A_517 : vector<1x16xf32> to vector<16xf32>
        %swap3A_519 = arith.index_cast %scan3A_496 : i32 to index
        %swap3A_520 = arith.constant 32 : index
        %swap3A_521 = tpu.vector_load %arg10[%swap3A_519, %swap3A_520] {strides = array<i32>} : memref<200x128xf32, #tpu.memory_space<vmem>>, vector<1x16xf32>,
        %swap3A_522 = vector.shape_cast %swap3A_521 : vector<1x16xf32> to vector<16xf32>
        %swap3A_523 = vector.shape_cast %get3A_518 : vector<16xf32> to vector<1x16xf32>
        tpu.vector_store %arg10[%swap3A_519, %swap3A_520], %swap3A_523 {add = true, strides = array<i32>} : memref<200x128xf32, #tpu.memory_space<vmem>>, vector<1x16xf32>,
        %get3A_524 = arith.index_cast %scan3A_496 : i32 to index
        %get3A_525 = arith.constant 48 : index
        %get3A_526 = tpu.vector_load %arg12[%get3A_524, %get3A_525] {strides = array<i32>} : memref<200x128xf32, #tpu.memory_space<vmem>>, vector<1x16xf32>,
        %get3A_527 = vector.shape_cast %get3A_526 : vector<1x16xf32> to vector<16xf32>
        %swap3A_528 = arith.index_cast %scan3A_496 : i32 to index
        %swap3A_529 = arith.constant 48 : index
        %swap3A_530 = tpu.vector_load %arg10[%swap3A_528, %swap3A_529] {strides = array<i32>} : memref<200x128xf32, #tpu.memory_space<vmem>>, vector<1x16xf32>,
        %swap3A_531 = vector.shape_cast %swap3A_530 : vector<1x16xf32> to vector<16xf32>
        %swap3A_532 = vector.shape_cast %get3A_527 : vector<16xf32> to vector<1x16xf32>
        tpu.vector_store %arg10[%swap3A_528, %swap3A_529], %swap3A_532 {add = true, strides = array<i32>} : memref<200x128xf32, #tpu.memory_space<vmem>>, vector<1x16xf32>,
        %get3A_533 = arith.index_cast %scan3A_496 : i32 to index
        %get3A_534 = arith.constant 64 : index
        %get3A_535 = tpu.vector_load %arg12[%get3A_533, %get3A_534] {strides = array<i32>} : memref<200x128xf32, #tpu.memory_space<vmem>>, vector<1x16xf32>,
        %get3A_536 = vector.shape_cast %get3A_535 : vector<1x16xf32> to vector<16xf32>
        %swap3A_537 = arith.index_cast %scan3A_496 : i32 to index
        %swap3A_538 = arith.constant 64 : index
        %swap3A_539 = tpu.vector_load %arg10[%swap3A_537, %swap3A_538] {strides = array<i32>} : memref<200x128xf32, #tpu.memory_space<vmem>>, vector<1x16xf32>,
        %swap3A_540 = vector.shape_cast %swap3A_539 : vector<1x16xf32> to vector<16xf32>
        %swap3A_541 = vector.shape_cast %get3A_536 : vector<16xf32> to vector<1x16xf32>
        tpu.vector_store %arg10[%swap3A_537, %swap3A_538], %swap3A_541 {add = true, strides = array<i32>} : memref<200x128xf32, #tpu.memory_space<vmem>>, vector<1x16xf32>,
        %get3A_542 = arith.index_cast %scan3A_496 : i32 to index
        %get3A_543 = arith.constant 80 : index
        %get3A_544 = tpu.vector_load %arg12[%get3A_542, %get3A_543] {strides = array<i32>} : memref<200x128xf32, #tpu.memory_space<vmem>>, vector<1x16xf32>,
        %get3A_545 = vector.shape_cast %get3A_544 : vector<1x16xf32> to vector<16xf32>
        %swap3A_546 = arith.index_cast %scan3A_496 : i32 to index
        %swap3A_547 = arith.constant 80 : index
        %swap3A_548 = tpu.vector_load %arg10[%swap3A_546, %swap3A_547] {strides = array<i32>} : memref<200x128xf32, #tpu.memory_space<vmem>>, vector<1x16xf32>,
        %swap3A_549 = vector.shape_cast %swap3A_548 : vector<1x16xf32> to vector<16xf32>
        %swap3A_550 = vector.shape_cast %get3A_545 : vector<16xf32> to vector<1x16xf32>
        tpu.vector_store %arg10[%swap3A_546, %swap3A_547], %swap3A_550 {add = true, strides = array<i32>} : memref<200x128xf32, #tpu.memory_space<vmem>>, vector<1x16xf32>,
        %get3A_551 = arith.index_cast %scan3A_496 : i32 to index
        %get3A_552 = arith.constant 96 : index
        %get3A_553 = tpu.vector_load %arg12[%get3A_551, %get3A_552] {strides = array<i32>} : memref<200x128xf32, #tpu.memory_space<vmem>>, vector<1x16xf32>,
        %get3A_554 = vector.shape_cast %get3A_553 : vector<1x16xf32> to vector<16xf32>
        %swap3A_555 = arith.index_cast %scan3A_496 : i32 to index
        %swap3A_556 = arith.constant 96 : index
        %swap3A_557 = tpu.vector_load %arg10[%swap3A_555, %swap3A_556] {strides = array<i32>} : memref<200x128xf32, #tpu.memory_space<vmem>>, vector<1x16xf32>,
        %swap3A_558 = vector.shape_cast %swap3A_557 : vector<1x16xf32> to vector<16xf32>
        %swap3A_559 = vector.shape_cast %get3A_554 : vector<16xf32> to vector<1x16xf32>
        tpu.vector_store %arg10[%swap3A_555, %swap3A_556], %swap3A_559 {add = true, strides = array<i32>} : memref<200x128xf32, #tpu.memory_space<vmem>>, vector<1x16xf32>,
        %get3A_560 = arith.index_cast %scan3A_496 : i32 to index
        %get3A_561 = arith.constant 112 : index
        %get3A_562 = tpu.vector_load %arg12[%get3A_560, %get3A_561] {strides = array<i32>} : memref<200x128xf32, #tpu.memory_space<vmem>>, vector<1x16xf32>,
        %get3A_563 = vector.shape_cast %get3A_562 : vector<1x16xf32> to vector<16xf32>
        %swap3A_564 = arith.index_cast %scan3A_496 : i32 to index
        %swap3A_565 = arith.constant 112 : index
        %swap3A_566 = tpu.vector_load %arg10[%swap3A_564, %swap3A_565] {strides = array<i32>} : memref<200x128xf32, #tpu.memory_space<vmem>>, vector<1x16xf32>,
        %swap3A_567 = vector.shape_cast %swap3A_566 : vector<1x16xf32> to vector<16xf32>
        %swap3A_568 = vector.shape_cast %get3A_563 : vector<16xf32> to vector<1x16xf32>
        tpu.vector_store %arg10[%swap3A_564, %swap3A_565], %swap3A_568 {add = true, strides = array<i32>} : memref<200x128xf32, #tpu.memory_space<vmem>>, vector<1x16xf32>,
      }
      %scan3A_294 = arith.constant 200 : i32
      %add3A_295 = arith.constant 1 : i32
      %add3A_296 = arith.addi %mul3A_175, %add3A_295 : i32
      %add3A_297 = arith.addi %mul3A_2, %add3A_296 : i32
      %mul3A_298 = arith.constant 200 : i32
      %mul3A_299 = arith.muli %add3A_297, %mul3A_298 : i32
      %dma_start3A_300 = arith.constant 0 : i32
      %dma_start3A_301 = tpu.memref_slice %arg5[%mul3A_299, %dma_start3A_300] : memref<819200x128xf32, #tpu.memory_space<hbm>> -> memref<200x128xf32, #tpu.memory_space<hbm>>
      %dma_start3A_302 = arith.constant 0 : i32
      %dma_start3A_303 = tpu.memref_slice %arg5[%mul3A_299, %dma_start3A_302] : memref<819200x128xf32, #tpu.memory_space<hbm>> -> memref<200x128xf32, #tpu.memory_space<hbm>>
      tpu.enqueue_dma source(%arg10 : memref<200x128xf32, #tpu.memory_space<vmem>>) target(%dma_start3A_303 : memref<200x128xf32, #tpu.memory_space<hbm>>) target_semaphore(%arg20 : memref<!tpu.dma_semaphore, #tpu.memory_space<semaphore_mem>>)
      %dma_wait3A_304 = arith.constant 0 : i32
      %dma_wait3A_305 = arith.constant 0 : i32
      %dma_wait3A_306 = tpu.memref_slice %arg2[%dma_wait3A_304, %dma_wait3A_305] : memref<8192x100xi32, #tpu.memory_space<hbm>> -> memref<2x100xi32, #tpu.memory_space<hbm>>
      %dma_wait3A_307 = arith.constant 0 : i32
      %dma_wait3A_308 = arith.constant 0 : i32
      %dma_wait3A_309 = tpu.memref_slice %arg2[%dma_wait3A_307, %dma_wait3A_308] : memref<8192x100xi32, #tpu.memory_space<hbm>> -> memref<2x100xi32, #tpu.memory_space<hbm>>
      tpu.wait_dma2 semaphore(%arg13 : memref<!tpu.dma_semaphore, #tpu.memory_space<semaphore_mem>>) src(%dma_wait3A_309 : memref<2x100xi32, #tpu.memory_space<hbm>>) dst(%arg6 : memref<2x100xi32, #tpu.memory_space<vmem>>)
      %dma_wait3A_310 = arith.constant 0 : i32
      %dma_wait3A_311 = arith.constant 0 : i32
      %dma_wait3A_312 = tpu.memref_slice %arg5[%dma_wait3A_310, %dma_wait3A_311] : memref<819200x128xf32, #tpu.memory_space<hbm>> -> memref<200x128xf32, #tpu.memory_space<hbm>>
      %dma_wait3A_313 = arith.constant 0 : i32
      %dma_wait3A_314 = arith.constant 0 : i32
      %dma_wait3A_315 = tpu.memref_slice %arg5[%dma_wait3A_313, %dma_wait3A_314] : memref<819200x128xf32, #tpu.memory_space<hbm>> -> memref<200x128xf32, #tpu.memory_space<hbm>>
      tpu.wait_dma2 semaphore(%arg19 : memref<!tpu.dma_semaphore, #tpu.memory_space<semaphore_mem>>) src(%arg9 : memref<200x128xf32, #tpu.memory_space<vmem>>) dst(%dma_wait3A_315 : memref<200x128xf32, #tpu.memory_space<hbm>>)
      %add3A_316 = arith.constant 1 : i32
      %add3A_317 = arith.addi %mul3A_175, %add3A_316 : i32
      %add3A_318 = arith.constant 2 : i32
      %add3A_319 = arith.addi %add3A_317, %add3A_318 : i32
      %dma_start3A_320 = arith.constant 0 : i32
      %dma_start3A_321 = arith.constant 0 : i32
      %dma_start3A_322 = arith.constant 0 : i32
      %dma_start3A_323 = tpu.memref_slice %arg9[%dma_start3A_321, %dma_start3A_322] : memref<200x128xf32, #tpu.memory_space<vmem>> -> memref<100x128xf32, #tpu.memory_space<vmem>>
      %dma_start3A_324 = arith.constant 0 : i32
      %dma_start3A_325 = tpu.memref_slice %arg6[%dma_start3A_320, %dma_start3A_324] : memref<2x100xi32, #tpu.memory_space<vmem>> -> memref<1x100xi32, #tpu.memory_space<vmem>>
      %dma_start3A_326 = tpu.memref_squeeze %dma_start3A_325 : memref<1x100xi32, #tpu.memory_space<vmem>> -> memref<100xi32, #tpu.memory_space<vmem>>
      %dma_start3A_327 = arith.constant 0 : i32
      %dma_start3A_328 = arith.constant 0 : i32
      %dma_start3A_329 = tpu.memref_slice %arg3[%dma_start3A_327, %dma_start3A_328] : memref<100000x128xf32, #tpu.memory_space<hbm>> -> memref<100000x128xf32, #tpu.memory_space<hbm>>
      tpu.enqueue_indirect_dma source(%dma_start3A_329 : memref<100000x128xf32, #tpu.memory_space<hbm>>) target(%dma_start3A_323 : memref<100x128xf32, #tpu.memory_space<vmem>>) offsets(%dma_start3A_326 : memref<100xi32, #tpu.memory_space<vmem>>) semaphore(%arg16 : memref<!tpu.dma_semaphore, #tpu.memory_space<semaphore_mem>>)
      %dma_start3A_330 = arith.constant 1 : i32
      %dma_start3A_331 = arith.constant 100 : i32
      %dma_start3A_332 = arith.constant 0 : i32
      %dma_start3A_333 = tpu.memref_slice %arg9[%dma_start3A_331, %dma_start3A_332] : memref<200x128xf32, #tpu.memory_space<vmem>> -> memref<100x128xf32, #tpu.memory_space<vmem>>
      %dma_start3A_334 = arith.constant 0 : i32
      %dma_start3A_335 = tpu.memref_slice %arg6[%dma_start3A_330, %dma_start3A_334] : memref<2x100xi32, #tpu.memory_space<vmem>> -> memref<1x100xi32, #tpu.memory_space<vmem>>
      %dma_start3A_336 = tpu.memref_squeeze %dma_start3A_335 : memref<1x100xi32, #tpu.memory_space<vmem>> -> memref<100xi32, #tpu.memory_space<vmem>>
      %dma_start3A_337 = arith.constant 0 : i32
      %dma_start3A_338 = arith.constant 0 : i32
      %dma_start3A_339 = tpu.memref_slice %arg3[%dma_start3A_337, %dma_start3A_338] : memref<100000x128xf32, #tpu.memory_space<hbm>> -> memref<100000x128xf32, #tpu.memory_space<hbm>>
      tpu.enqueue_indirect_dma source(%dma_start3A_339 : memref<100000x128xf32, #tpu.memory_space<hbm>>) target(%dma_start3A_333 : memref<100x128xf32, #tpu.memory_space<vmem>>) offsets(%dma_start3A_336 : memref<100xi32, #tpu.memory_space<vmem>>) semaphore(%arg16 : memref<!tpu.dma_semaphore, #tpu.memory_space<semaphore_mem>>)
      %dma_wait3A_340 = arith.constant 0 : i32
      %dma_wait3A_341 = arith.constant 0 : i32
      %dma_wait3A_342 = arith.constant 0 : i32
      %dma_wait3A_343 = tpu.memref_slice %arg11[%dma_wait3A_341, %dma_wait3A_342] : memref<200x128xf32, #tpu.memory_space<vmem>> -> memref<100x128xf32, #tpu.memory_space<vmem>>
      %dma_wait3A_344 = arith.constant 0 : i32
      %dma_wait3A_345 = tpu.memref_slice %arg8[%dma_wait3A_340, %dma_wait3A_344] : memref<2x100xi32, #tpu.memory_space<vmem>> -> memref<1x100xi32, #tpu.memory_space<vmem>>
      %dma_wait3A_346 = tpu.memref_squeeze %dma_wait3A_345 : memref<1x100xi32, #tpu.memory_space<vmem>> -> memref<100xi32, #tpu.memory_space<vmem>>
      %dma_wait3A_347 = arith.constant 0 : i32
      %dma_wait3A_348 = arith.constant 0 : i32
      %dma_wait3A_349 = tpu.memref_slice %arg3[%dma_wait3A_347, %dma_wait3A_348] : memref<100000x128xf32, #tpu.memory_space<hbm>> -> memref<100000x128xf32, #tpu.memory_space<hbm>>
      tpu.wait_indirect_dma semaphore(%arg18 : memref<!tpu.dma_semaphore, #tpu.memory_space<semaphore_mem>>) src(%dma_wait3A_349 : memref<100000x128xf32, #tpu.memory_space<hbm>>) dst(%dma_wait3A_343 : memref<100x128xf32, #tpu.memory_space<vmem>>)
      %dma_wait3A_350 = arith.constant 0 : i32
      %dma_wait3A_351 = arith.constant 100 : i32
      %dma_wait3A_352 = arith.constant 0 : i32
      %dma_wait3A_353 = tpu.memref_slice %arg11[%dma_wait3A_351, %dma_wait3A_352] : memref<200x128xf32, #tpu.memory_space<vmem>> -> memref<100x128xf32, #tpu.memory_space<vmem>>
      %dma_wait3A_354 = arith.constant 0 : i32
      %dma_wait3A_355 = tpu.memref_slice %arg8[%dma_wait3A_350, %dma_wait3A_354] : memref<2x100xi32, #tpu.memory_space<vmem>> -> memref<1x100xi32, #tpu.memory_space<vmem>>
      %dma_wait3A_356 = tpu.memref_squeeze %dma_wait3A_355 : memref<1x100xi32, #tpu.memory_space<vmem>> -> memref<100xi32, #tpu.memory_space<vmem>>
      %dma_wait3A_357 = arith.constant 0 : i32
      %dma_wait3A_358 = arith.constant 0 : i32
      %dma_wait3A_359 = tpu.memref_slice %arg3[%dma_wait3A_357, %dma_wait3A_358] : memref<100000x128xf32, #tpu.memory_space<hbm>> -> memref<100000x128xf32, #tpu.memory_space<hbm>>
      tpu.wait_indirect_dma semaphore(%arg18 : memref<!tpu.dma_semaphore, #tpu.memory_space<semaphore_mem>>) src(%dma_wait3A_359 : memref<100000x128xf32, #tpu.memory_space<hbm>>) dst(%dma_wait3A_353 : memref<100x128xf32, #tpu.memory_space<vmem>>)
      %add3A_360 = arith.constant 2 : i32
      %add3A_361 = arith.addi %mul3A_175, %add3A_360 : i32
      %add3A_362 = arith.constant 3 : i32
      %add3A_363 = arith.addi %add3A_361, %add3A_362 : i32
      %add3A_364 = arith.addi %mul3A_2, %add3A_363 : i32
      %min3A_365 = arith.constant 4095 : i32
      %min3A_366 = arith.minsi %add3A_364, %min3A_365 : i32
      %mul3A_367 = arith.constant 2 : i32
      %mul3A_368 = arith.muli %mul3A_367, %min3A_366 : i32
      %dma_start3A_369 = arith.constant 0 : i32
      %dma_start3A_370 = tpu.memref_slice %arg2[%mul3A_368, %dma_start3A_369] : memref<8192x100xi32, #tpu.memory_space<hbm>> -> memref<2x100xi32, #tpu.memory_space<hbm>>
      %dma_start3A_371 = arith.constant 0 : i32
      %dma_start3A_372 = tpu.memref_slice %arg2[%mul3A_368, %dma_start3A_371] : memref<8192x100xi32, #tpu.memory_space<hbm>> -> memref<2x100xi32, #tpu.memory_space<hbm>>
      tpu.enqueue_dma source(%dma_start3A_372 : memref<2x100xi32, #tpu.memory_space<hbm>>) target(%arg8 : memref<2x100xi32, #tpu.memory_space<vmem>>) target_semaphore(%arg15 : memref<!tpu.dma_semaphore, #tpu.memory_space<semaphore_mem>>)
      %scan3A_373 = arith.constant 0 : i32
      %scan3A_374 = arith.constant 0 : i32
      %scan3A_375 = arith.constant 200 : i32
      %scan3A_376 = arith.addi %scan3A_374, %scan3A_375 : i32
      %scan3A_377 = arith.constant 2 : i32
      scf.for %scan3A_424 = %scan3A_374 to %scan3A_376 step %scan3A_377  : i32 {
        %get3A = arith.index_cast %scan3A_424 : i32 to index
        %get3A_425 = arith.constant 0 : index
        %get3A_426 = tpu.vector_load %arg12[%get3A, %get3A_425] {strides = array<i32>} : memref<200x128xf32, #tpu.memory_space<vmem>>, vector<1x16xf32>,
        %get3A_427 = vector.shape_cast %get3A_426 : vector<1x16xf32> to vector<16xf32>
        %swap3A = arith.index_cast %scan3A_424 : i32 to index
        %swap3A_428 = arith.constant 0 : index
        %swap3A_429 = tpu.vector_load %arg11[%swap3A, %swap3A_428] {strides = array<i32>} : memref<200x128xf32, #tpu.memory_space<vmem>>, vector<1x16xf32>,
        %swap3A_430 = vector.shape_cast %swap3A_429 : vector<1x16xf32> to vector<16xf32>
        %swap3A_431 = vector.shape_cast %get3A_427 : vector<16xf32> to vector<1x16xf32>
        tpu.vector_store %arg11[%swap3A, %swap3A_428], %swap3A_431 {add = true, strides = array<i32>} : memref<200x128xf32, #tpu.memory_space<vmem>>, vector<1x16xf32>,
        %get3A_432 = arith.index_cast %scan3A_424 : i32 to index
        %get3A_433 = arith.constant 16 : index
        %get3A_434 = tpu.vector_load %arg12[%get3A_432, %get3A_433] {strides = array<i32>} : memref<200x128xf32, #tpu.memory_space<vmem>>, vector<1x16xf32>,
        %get3A_435 = vector.shape_cast %get3A_434 : vector<1x16xf32> to vector<16xf32>
        %swap3A_436 = arith.index_cast %scan3A_424 : i32 to index
        %swap3A_437 = arith.constant 16 : index
        %swap3A_438 = tpu.vector_load %arg11[%swap3A_436, %swap3A_437] {strides = array<i32>} : memref<200x128xf32, #tpu.memory_space<vmem>>, vector<1x16xf32>,
        %swap3A_439 = vector.shape_cast %swap3A_438 : vector<1x16xf32> to vector<16xf32>
        %swap3A_440 = vector.shape_cast %get3A_435 : vector<16xf32> to vector<1x16xf32>
        tpu.vector_store %arg11[%swap3A_436, %swap3A_437], %swap3A_440 {add = true, strides = array<i32>} : memref<200x128xf32, #tpu.memory_space<vmem>>, vector<1x16xf32>,
        %get3A_441 = arith.index_cast %scan3A_424 : i32 to index
        %get3A_442 = arith.constant 32 : index
        %get3A_443 = tpu.vector_load %arg12[%get3A_441, %get3A_442] {strides = array<i32>} : memref<200x128xf32, #tpu.memory_space<vmem>>, vector<1x16xf32>,
        %get3A_444 = vector.shape_cast %get3A_443 : vector<1x16xf32> to vector<16xf32>
        %swap3A_445 = arith.index_cast %scan3A_424 : i32 to index
        %swap3A_446 = arith.constant 32 : index
        %swap3A_447 = tpu.vector_load %arg11[%swap3A_445, %swap3A_446] {strides = array<i32>} : memref<200x128xf32, #tpu.memory_space<vmem>>, vector<1x16xf32>,
        %swap3A_448 = vector.shape_cast %swap3A_447 : vector<1x16xf32> to vector<16xf32>
        %swap3A_449 = vector.shape_cast %get3A_444 : vector<16xf32> to vector<1x16xf32>
        tpu.vector_store %arg11[%swap3A_445, %swap3A_446], %swap3A_449 {add = true, strides = array<i32>} : memref<200x128xf32, #tpu.memory_space<vmem>>, vector<1x16xf32>,
        %get3A_450 = arith.index_cast %scan3A_424 : i32 to index
        %get3A_451 = arith.constant 48 : index
        %get3A_452 = tpu.vector_load %arg12[%get3A_450, %get3A_451] {strides = array<i32>} : memref<200x128xf32, #tpu.memory_space<vmem>>, vector<1x16xf32>,
        %get3A_453 = vector.shape_cast %get3A_452 : vector<1x16xf32> to vector<16xf32>
        %swap3A_454 = arith.index_cast %scan3A_424 : i32 to index
        %swap3A_455 = arith.constant 48 : index
        %swap3A_456 = tpu.vector_load %arg11[%swap3A_454, %swap3A_455] {strides = array<i32>} : memref<200x128xf32, #tpu.memory_space<vmem>>, vector<1x16xf32>,
        %swap3A_457 = vector.shape_cast %swap3A_456 : vector<1x16xf32> to vector<16xf32>
        %swap3A_458 = vector.shape_cast %get3A_453 : vector<16xf32> to vector<1x16xf32>
        tpu.vector_store %arg11[%swap3A_454, %swap3A_455], %swap3A_458 {add = true, strides = array<i32>} : memref<200x128xf32, #tpu.memory_space<vmem>>, vector<1x16xf32>,
        %get3A_459 = arith.index_cast %scan3A_424 : i32 to index
        %get3A_460 = arith.constant 64 : index
        %get3A_461 = tpu.vector_load %arg12[%get3A_459, %get3A_460] {strides = array<i32>} : memref<200x128xf32, #tpu.memory_space<vmem>>, vector<1x16xf32>,
        %get3A_462 = vector.shape_cast %get3A_461 : vector<1x16xf32> to vector<16xf32>
        %swap3A_463 = arith.index_cast %scan3A_424 : i32 to index
        %swap3A_464 = arith.constant 64 : index
        %swap3A_465 = tpu.vector_load %arg11[%swap3A_463, %swap3A_464] {strides = array<i32>} : memref<200x128xf32, #tpu.memory_space<vmem>>, vector<1x16xf32>,
        %swap3A_466 = vector.shape_cast %swap3A_465 : vector<1x16xf32> to vector<16xf32>
        %swap3A_467 = vector.shape_cast %get3A_462 : vector<16xf32> to vector<1x16xf32>
        tpu.vector_store %arg11[%swap3A_463, %swap3A_464], %swap3A_467 {add = true, strides = array<i32>} : memref<200x128xf32, #tpu.memory_space<vmem>>, vector<1x16xf32>,
        %get3A_468 = arith.index_cast %scan3A_424 : i32 to index
        %get3A_469 = arith.constant 80 : index
        %get3A_470 = tpu.vector_load %arg12[%get3A_468, %get3A_469] {strides = array<i32>} : memref<200x128xf32, #tpu.memory_space<vmem>>, vector<1x16xf32>,
        %get3A_471 = vector.shape_cast %get3A_470 : vector<1x16xf32> to vector<16xf32>
        %swap3A_472 = arith.index_cast %scan3A_424 : i32 to index
        %swap3A_473 = arith.constant 80 : index
        %swap3A_474 = tpu.vector_load %arg11[%swap3A_472, %swap3A_473] {strides = array<i32>} : memref<200x128xf32, #tpu.memory_space<vmem>>, vector<1x16xf32>,
        %swap3A_475 = vector.shape_cast %swap3A_474 : vector<1x16xf32> to vector<16xf32>
        %swap3A_476 = vector.shape_cast %get3A_471 : vector<16xf32> to vector<1x16xf32>
        tpu.vector_store %arg11[%swap3A_472, %swap3A_473], %swap3A_476 {add = true, strides = array<i32>} : memref<200x128xf32, #tpu.memory_space<vmem>>, vector<1x16xf32>,
        %get3A_477 = arith.index_cast %scan3A_424 : i32 to index
        %get3A_478 = arith.constant 96 : index
        %get3A_479 = tpu.vector_load %arg12[%get3A_477, %get3A_478] {strides = array<i32>} : memref<200x128xf32, #tpu.memory_space<vmem>>, vector<1x16xf32>,
        %get3A_480 = vector.shape_cast %get3A_479 : vector<1x16xf32> to vector<16xf32>
        %swap3A_481 = arith.index_cast %scan3A_424 : i32 to index
        %swap3A_482 = arith.constant 96 : index
        %swap3A_483 = tpu.vector_load %arg11[%swap3A_481, %swap3A_482] {strides = array<i32>} : memref<200x128xf32, #tpu.memory_space<vmem>>, vector<1x16xf32>,
        %swap3A_484 = vector.shape_cast %swap3A_483 : vector<1x16xf32> to vector<16xf32>
        %swap3A_485 = vector.shape_cast %get3A_480 : vector<16xf32> to vector<1x16xf32>
        tpu.vector_store %arg11[%swap3A_481, %swap3A_482], %swap3A_485 {add = true, strides = array<i32>} : memref<200x128xf32, #tpu.memory_space<vmem>>, vector<1x16xf32>,
        %get3A_486 = arith.index_cast %scan3A_424 : i32 to index
        %get3A_487 = arith.constant 112 : index
        %get3A_488 = tpu.vector_load %arg12[%get3A_486, %get3A_487] {strides = array<i32>} : memref<200x128xf32, #tpu.memory_space<vmem>>, vector<1x16xf32>,
        %get3A_489 = vector.shape_cast %get3A_488 : vector<1x16xf32> to vector<16xf32>
        %swap3A_490 = arith.index_cast %scan3A_424 : i32 to index
        %swap3A_491 = arith.constant 112 : index
        %swap3A_492 = tpu.vector_load %arg11[%swap3A_490, %swap3A_491] {strides = array<i32>} : memref<200x128xf32, #tpu.memory_space<vmem>>, vector<1x16xf32>,
        %swap3A_493 = vector.shape_cast %swap3A_492 : vector<1x16xf32> to vector<16xf32>
        %swap3A_494 = vector.shape_cast %get3A_489 : vector<16xf32> to vector<1x16xf32>
        tpu.vector_store %arg11[%swap3A_490, %swap3A_491], %swap3A_494 {add = true, strides = array<i32>} : memref<200x128xf32, #tpu.memory_space<vmem>>, vector<1x16xf32>,
        %scan3A_495 = arith.constant 1 : i32
        %scan3A_496 = arith.addi %scan3A_424, %scan3A_495 : i32
        %get3A_497 = arith.index_cast %scan3A_496 : i32 to index
        %get3A_498 = arith.constant 0 : index
        %get3A_499 = tpu.vector_load %arg12[%get3A_497, %get3A_498] {strides = array<i32>} : memref<200x128xf32, #tpu.memory_space<vmem>>, vector<1x16xf32>,
        %get3A_500 = vector.shape_cast %get3A_499 : vector<1x16xf32> to vector<16xf32>
        %swap3A_501 = arith.index_cast %scan3A_496 : i32 to index
        %swap3A_502 = arith.constant 0 : index
        %swap3A_503 = tpu.vector_load %arg11[%swap3A_501, %swap3A_502] {strides = array<i32>} : memref<200x128xf32, #tpu.memory_space<vmem>>, vector<1x16xf32>,
        %swap3A_504 = vector.shape_cast %swap3A_503 : vector<1x16xf32> to vector<16xf32>
        %swap3A_505 = vector.shape_cast %get3A_500 : vector<16xf32> to vector<1x16xf32>
        tpu.vector_store %arg11[%swap3A_501, %swap3A_502], %swap3A_505 {add = true, strides = array<i32>} : memref<200x128xf32, #tpu.memory_space<vmem>>, vector<1x16xf32>,
        %get3A_506 = arith.index_cast %scan3A_496 : i32 to index
        %get3A_507 = arith.constant 16 : index
        %get3A_508 = tpu.vector_load %arg12[%get3A_506, %get3A_507] {strides = array<i32>} : memref<200x128xf32, #tpu.memory_space<vmem>>, vector<1x16xf32>,
        %get3A_509 = vector.shape_cast %get3A_508 : vector<1x16xf32> to vector<16xf32>
        %swap3A_510 = arith.index_cast %scan3A_496 : i32 to index
        %swap3A_511 = arith.constant 16 : index
        %swap3A_512 = tpu.vector_load %arg11[%swap3A_510, %swap3A_511] {strides = array<i32>} : memref<200x128xf32, #tpu.memory_space<vmem>>, vector<1x16xf32>,
        %swap3A_513 = vector.shape_cast %swap3A_512 : vector<1x16xf32> to vector<16xf32>
        %swap3A_514 = vector.shape_cast %get3A_509 : vector<16xf32> to vector<1x16xf32>
        tpu.vector_store %arg11[%swap3A_510, %swap3A_511], %swap3A_514 {add = true, strides = array<i32>} : memref<200x128xf32, #tpu.memory_space<vmem>>, vector<1x16xf32>,
        %get3A_515 = arith.index_cast %scan3A_496 : i32 to index
        %get3A_516 = arith.constant 32 : index
        %get3A_517 = tpu.vector_load %arg12[%get3A_515, %get3A_516] {strides = array<i32>} : memref<200x128xf32, #tpu.memory_space<vmem>>, vector<1x16xf32>,
        %get3A_518 = vector.shape_cast %get3A_517 : vector<1x16xf32> to vector<16xf32>
        %swap3A_519 = arith.index_cast %scan3A_496 : i32 to index
        %swap3A_520 = arith.constant 32 : index
        %swap3A_521 = tpu.vector_load %arg11[%swap3A_519, %swap3A_520] {strides = array<i32>} : memref<200x128xf32, #tpu.memory_space<vmem>>, vector<1x16xf32>,
        %swap3A_522 = vector.shape_cast %swap3A_521 : vector<1x16xf32> to vector<16xf32>
        %swap3A_523 = vector.shape_cast %get3A_518 : vector<16xf32> to vector<1x16xf32>
        tpu.vector_store %arg11[%swap3A_519, %swap3A_520], %swap3A_523 {add = true, strides = array<i32>} : memref<200x128xf32, #tpu.memory_space<vmem>>, vector<1x16xf32>,
        %get3A_524 = arith.index_cast %scan3A_496 : i32 to index
        %get3A_525 = arith.constant 48 : index
        %get3A_526 = tpu.vector_load %arg12[%get3A_524, %get3A_525] {strides = array<i32>} : memref<200x128xf32, #tpu.memory_space<vmem>>, vector<1x16xf32>,
        %get3A_527 = vector.shape_cast %get3A_526 : vector<1x16xf32> to vector<16xf32>
        %swap3A_528 = arith.index_cast %scan3A_496 : i32 to index
        %swap3A_529 = arith.constant 48 : index
        %swap3A_530 = tpu.vector_load %arg11[%swap3A_528, %swap3A_529] {strides = array<i32>} : memref<200x128xf32, #tpu.memory_space<vmem>>, vector<1x16xf32>,
        %swap3A_531 = vector.shape_cast %swap3A_530 : vector<1x16xf32> to vector<16xf32>
        %swap3A_532 = vector.shape_cast %get3A_527 : vector<16xf32> to vector<1x16xf32>
        tpu.vector_store %arg11[%swap3A_528, %swap3A_529], %swap3A_532 {add = true, strides = array<i32>} : memref<200x128xf32, #tpu.memory_space<vmem>>, vector<1x16xf32>,
        %get3A_533 = arith.index_cast %scan3A_496 : i32 to index
        %get3A_534 = arith.constant 64 : index
        %get3A_535 = tpu.vector_load %arg12[%get3A_533, %get3A_534] {strides = array<i32>} : memref<200x128xf32, #tpu.memory_space<vmem>>, vector<1x16xf32>,
        %get3A_536 = vector.shape_cast %get3A_535 : vector<1x16xf32> to vector<16xf32>
        %swap3A_537 = arith.index_cast %scan3A_496 : i32 to index
        %swap3A_538 = arith.constant 64 : index
        %swap3A_539 = tpu.vector_load %arg11[%swap3A_537, %swap3A_538] {strides = array<i32>} : memref<200x128xf32, #tpu.memory_space<vmem>>, vector<1x16xf32>,
        %swap3A_540 = vector.shape_cast %swap3A_539 : vector<1x16xf32> to vector<16xf32>
        %swap3A_541 = vector.shape_cast %get3A_536 : vector<16xf32> to vector<1x16xf32>
        tpu.vector_store %arg11[%swap3A_537, %swap3A_538], %swap3A_541 {add = true, strides = array<i32>} : memref<200x128xf32, #tpu.memory_space<vmem>>, vector<1x16xf32>,
        %get3A_542 = arith.index_cast %scan3A_496 : i32 to index
        %get3A_543 = arith.constant 80 : index
        %get3A_544 = tpu.vector_load %arg12[%get3A_542, %get3A_543] {strides = array<i32>} : memref<200x128xf32, #tpu.memory_space<vmem>>, vector<1x16xf32>,
        %get3A_545 = vector.shape_cast %get3A_544 : vector<1x16xf32> to vector<16xf32>
        %swap3A_546 = arith.index_cast %scan3A_496 : i32 to index
        %swap3A_547 = arith.constant 80 : index
        %swap3A_548 = tpu.vector_load %arg11[%swap3A_546, %swap3A_547] {strides = array<i32>} : memref<200x128xf32, #tpu.memory_space<vmem>>, vector<1x16xf32>,
        %swap3A_549 = vector.shape_cast %swap3A_548 : vector<1x16xf32> to vector<16xf32>
        %swap3A_550 = vector.shape_cast %get3A_545 : vector<16xf32> to vector<1x16xf32>
        tpu.vector_store %arg11[%swap3A_546, %swap3A_547], %swap3A_550 {add = true, strides = array<i32>} : memref<200x128xf32, #tpu.memory_space<vmem>>, vector<1x16xf32>,
        %get3A_551 = arith.index_cast %scan3A_496 : i32 to index
        %get3A_552 = arith.constant 96 : index
        %get3A_553 = tpu.vector_load %arg12[%get3A_551, %get3A_552] {strides = array<i32>} : memref<200x128xf32, #tpu.memory_space<vmem>>, vector<1x16xf32>,
        %get3A_554 = vector.shape_cast %get3A_553 : vector<1x16xf32> to vector<16xf32>
        %swap3A_555 = arith.index_cast %scan3A_496 : i32 to index
        %swap3A_556 = arith.constant 96 : index
        %swap3A_557 = tpu.vector_load %arg11[%swap3A_555, %swap3A_556] {strides = array<i32>} : memref<200x128xf32, #tpu.memory_space<vmem>>, vector<1x16xf32>,
        %swap3A_558 = vector.shape_cast %swap3A_557 : vector<1x16xf32> to vector<16xf32>
        %swap3A_559 = vector.shape_cast %get3A_554 : vector<16xf32> to vector<1x16xf32>
        tpu.vector_store %arg11[%swap3A_555, %swap3A_556], %swap3A_559 {add = true, strides = array<i32>} : memref<200x128xf32, #tpu.memory_space<vmem>>, vector<1x16xf32>,
        %get3A_560 = arith.index_cast %scan3A_496 : i32 to index
        %get3A_561 = arith.constant 112 : index
        %get3A_562 = tpu.vector_load %arg12[%get3A_560, %get3A_561] {strides = array<i32>} : memref<200x128xf32, #tpu.memory_space<vmem>>, vector<1x16xf32>,
        %get3A_563 = vector.shape_cast %get3A_562 : vector<1x16xf32> to vector<16xf32>
        %swap3A_564 = arith.index_cast %scan3A_496 : i32 to index
        %swap3A_565 = arith.constant 112 : index
        %swap3A_566 = tpu.vector_load %arg11[%swap3A_564, %swap3A_565] {strides = array<i32>} : memref<200x128xf32, #tpu.memory_space<vmem>>, vector<1x16xf32>,
        %swap3A_567 = vector.shape_cast %swap3A_566 : vector<1x16xf32> to vector<16xf32>
        %swap3A_568 = vector.shape_cast %get3A_563 : vector<16xf32> to vector<1x16xf32>
        tpu.vector_store %arg11[%swap3A_564, %swap3A_565], %swap3A_568 {add = true, strides = array<i32>} : memref<200x128xf32, #tpu.memory_space<vmem>>, vector<1x16xf32>,
      }
      %scan3A_378 = arith.constant 200 : i32
      %add3A_379 = arith.constant 2 : i32
      %add3A_380 = arith.addi %mul3A_175, %add3A_379 : i32
      %add3A_381 = arith.addi %mul3A_2, %add3A_380 : i32
      %mul3A_382 = arith.constant 200 : i32
      %mul3A_383 = arith.muli %add3A_381, %mul3A_382 : i32
      %dma_start3A_384 = arith.constant 0 : i32
      %dma_start3A_385 = tpu.memref_slice %arg5[%mul3A_383, %dma_start3A_384] : memref<819200x128xf32, #tpu.memory_space<hbm>> -> memref<200x128xf32, #tpu.memory_space<hbm>>
      %dma_start3A_386 = arith.constant 0 : i32
      %dma_start3A_387 = tpu.memref_slice %arg5[%mul3A_383, %dma_start3A_386] : memref<819200x128xf32, #tpu.memory_space<hbm>> -> memref<200x128xf32, #tpu.memory_space<hbm>>
      tpu.enqueue_dma source(%arg11 : memref<200x128xf32, #tpu.memory_space<vmem>>) target(%dma_start3A_387 : memref<200x128xf32, #tpu.memory_space<hbm>>) target_semaphore(%arg21 : memref<!tpu.dma_semaphore, #tpu.memory_space<semaphore_mem>>)
      %dma_wait3A_388 = arith.constant 0 : i32
      %dma_wait3A_389 = arith.constant 0 : i32
      %dma_wait3A_390 = tpu.memref_slice %arg2[%dma_wait3A_388, %dma_wait3A_389] : memref<8192x100xi32, #tpu.memory_space<hbm>> -> memref<2x100xi32, #tpu.memory_space<hbm>>
      %dma_wait3A_391 = arith.constant 0 : i32
      %dma_wait3A_392 = arith.constant 0 : i32
      %dma_wait3A_393 = tpu.memref_slice %arg2[%dma_wait3A_391, %dma_wait3A_392] : memref<8192x100xi32, #tpu.memory_space<hbm>> -> memref<2x100xi32, #tpu.memory_space<hbm>>
      tpu.wait_dma2 semaphore(%arg14 : memref<!tpu.dma_semaphore, #tpu.memory_space<semaphore_mem>>) src(%dma_wait3A_393 : memref<2x100xi32, #tpu.memory_space<hbm>>) dst(%arg7 : memref<2x100xi32, #tpu.memory_space<vmem>>)
      %dma_wait3A_394 = arith.constant 0 : i32
      %dma_wait3A_395 = arith.constant 0 : i32
      %dma_wait3A_396 = tpu.memref_slice %arg5[%dma_wait3A_394, %dma_wait3A_395] : memref<819200x128xf32, #tpu.memory_space<hbm>> -> memref<200x128xf32, #tpu.memory_space<hbm>>
      %dma_wait3A_397 = arith.constant 0 : i32
      %dma_wait3A_398 = arith.constant 0 : i32
      %dma_wait3A_399 = tpu.memref_slice %arg5[%dma_wait3A_397, %dma_wait3A_398] : memref<819200x128xf32, #tpu.memory_space<hbm>> -> memref<200x128xf32, #tpu.memory_space<hbm>>
      tpu.wait_dma2 semaphore(%arg20 : memref<!tpu.dma_semaphore, #tpu.memory_space<semaphore_mem>>) src(%arg10 : memref<200x128xf32, #tpu.memory_space<vmem>>) dst(%dma_wait3A_399 : memref<200x128xf32, #tpu.memory_space<hbm>>)
      %add3A_400 = arith.constant 2 : i32
      %add3A_401 = arith.addi %mul3A_175, %add3A_400 : i32
      %add3A_402 = arith.constant 2 : i32
      %add3A_403 = arith.addi %add3A_401, %add3A_402 : i32
      %dma_start3A_404 = arith.constant 0 : i32
      %dma_start3A_405 = arith.constant 0 : i32
      %dma_start3A_406 = arith.constant 0 : i32
      %dma_start3A_407 = tpu.memref_slice %arg10[%dma_start3A_405, %dma_start3A_406] : memref<200x128xf32, #tpu.memory_space<vmem>> -> memref<100x128xf32, #tpu.memory_space<vmem>>
      %dma_start3A_408 = arith.constant 0 : i32
      %dma_start3A_409 = tpu.memref_slice %arg7[%dma_start3A_404, %dma_start3A_408] : memref<2x100xi32, #tpu.memory_space<vmem>> -> memref<1x100xi32, #tpu.memory_space<vmem>>
      %dma_start3A_410 = tpu.memref_squeeze %dma_start3A_409 : memref<1x100xi32, #tpu.memory_space<vmem>> -> memref<100xi32, #tpu.memory_space<vmem>>
      %dma_start3A_411 = arith.constant 0 : i32
      %dma_start3A_412 = arith.constant 0 : i32
      %dma_start3A_413 = tpu.memref_slice %arg3[%dma_start3A_411, %dma_start3A_412] : memref<100000x128xf32, #tpu.memory_space<hbm>> -> memref<100000x128xf32, #tpu.memory_space<hbm>>
      tpu.enqueue_indirect_dma source(%dma_start3A_413 : memref<100000x128xf32, #tpu.memory_space<hbm>>) target(%dma_start3A_407 : memref<100x128xf32, #tpu.memory_space<vmem>>) offsets(%dma_start3A_410 : memref<100xi32, #tpu.memory_space<vmem>>) semaphore(%arg17 : memref<!tpu.dma_semaphore, #tpu.memory_space<semaphore_mem>>)
      %dma_start3A_414 = arith.constant 1 : i32
      %dma_start3A_415 = arith.constant 100 : i32
      %dma_start3A_416 = arith.constant 0 : i32
      %dma_start3A_417 = tpu.memref_slice %arg10[%dma_start3A_415, %dma_start3A_416] : memref<200x128xf32, #tpu.memory_space<vmem>> -> memref<100x128xf32, #tpu.memory_space<vmem>>
      %dma_start3A_418 = arith.constant 0 : i32
      %dma_start3A_419 = tpu.memref_slice %arg7[%dma_start3A_414, %dma_start3A_418] : memref<2x100xi32, #tpu.memory_space<vmem>> -> memref<1x100xi32, #tpu.memory_space<vmem>>
      %dma_start3A_420 = tpu.memref_squeeze %dma_start3A_419 : memref<1x100xi32, #tpu.memory_space<vmem>> -> memref<100xi32, #tpu.memory_space<vmem>>
      %dma_start3A_421 = arith.constant 0 : i32
      %dma_start3A_422 = arith.constant 0 : i32
      %dma_start3A_423 = tpu.memref_slice %arg3[%dma_start3A_421, %dma_start3A_422] : memref<100000x128xf32, #tpu.memory_space<hbm>> -> memref<100000x128xf32, #tpu.memory_space<hbm>>
      tpu.enqueue_indirect_dma source(%dma_start3A_423 : memref<100000x128xf32, #tpu.memory_space<hbm>>) target(%dma_start3A_417 : memref<100x128xf32, #tpu.memory_space<vmem>>) offsets(%dma_start3A_420 : memref<100xi32, #tpu.memory_space<vmem>>) semaphore(%arg17 : memref<!tpu.dma_semaphore, #tpu.memory_space<semaphore_mem>>)
    }
    %scan3A_86 = arith.constant 42 : i32
    %dma_wait3A_87 = arith.constant 0 : i32
    %dma_wait3A_88 = arith.constant 0 : i32
    %dma_wait3A_89 = arith.constant 0 : i32
    %dma_wait3A_90 = tpu.memref_slice %arg9[%dma_wait3A_88, %dma_wait3A_89] : memref<200x128xf32, #tpu.memory_space<vmem>> -> memref<100x128xf32, #tpu.memory_space<vmem>>
    %dma_wait3A_91 = arith.constant 0 : i32
    %dma_wait3A_92 = tpu.memref_slice %arg6[%dma_wait3A_87, %dma_wait3A_91] : memref<2x100xi32, #tpu.memory_space<vmem>> -> memref<1x100xi32, #tpu.memory_space<vmem>>
    %dma_wait3A_93 = tpu.memref_squeeze %dma_wait3A_92 : memref<1x100xi32, #tpu.memory_space<vmem>> -> memref<100xi32, #tpu.memory_space<vmem>>
    %dma_wait3A_94 = arith.constant 0 : i32
    %dma_wait3A_95 = arith.constant 0 : i32
    %dma_wait3A_96 = tpu.memref_slice %arg3[%dma_wait3A_94, %dma_wait3A_95] : memref<100000x128xf32, #tpu.memory_space<hbm>> -> memref<100000x128xf32, #tpu.memory_space<hbm>>
    tpu.wait_indirect_dma semaphore(%arg16 : memref<!tpu.dma_semaphore, #tpu.memory_space<semaphore_mem>>) src(%dma_wait3A_96 : memref<100000x128xf32, #tpu.memory_space<hbm>>) dst(%dma_wait3A_90 : memref<100x128xf32, #tpu.memory_space<vmem>>)
    %dma_wait3A_97 = arith.constant 0 : i32
    %dma_wait3A_98 = arith.constant 100 : i32
    %dma_wait3A_99 = arith.constant 0 : i32
    %dma_wait3A_100 = tpu.memref_slice %arg9[%dma_wait3A_98, %dma_wait3A_99] : memref<200x128xf32, #tpu.memory_space<vmem>> -> memref<100x128xf32, #tpu.memory_space<vmem>>
    %dma_wait3A_101 = arith.constant 0 : i32
    %dma_wait3A_102 = tpu.memref_slice %arg6[%dma_wait3A_97, %dma_wait3A_101] : memref<2x100xi32, #tpu.memory_space<vmem>> -> memref<1x100xi32, #tpu.memory_space<vmem>>
    %dma_wait3A_103 = tpu.memref_squeeze %dma_wait3A_102 : memref<1x100xi32, #tpu.memory_space<vmem>> -> memref<100xi32, #tpu.memory_space<vmem>>
    %dma_wait3A_104 = arith.constant 0 : i32
    %dma_wait3A_105 = arith.constant 0 : i32
    %dma_wait3A_106 = tpu.memref_slice %arg3[%dma_wait3A_104, %dma_wait3A_105] : memref<100000x128xf32, #tpu.memory_space<hbm>> -> memref<100000x128xf32, #tpu.memory_space<hbm>>
    tpu.wait_indirect_dma semaphore(%arg16 : memref<!tpu.dma_semaphore, #tpu.memory_space<semaphore_mem>>) src(%dma_wait3A_106 : memref<100000x128xf32, #tpu.memory_space<hbm>>) dst(%dma_wait3A_100 : memref<100x128xf32, #tpu.memory_space<vmem>>)
    %scan3A_107 = arith.constant 0 : i32
    %scan3A_108 = arith.constant 0 : i32
    %scan3A_109 = arith.constant 200 : i32
    %scan3A_110 = arith.addi %scan3A_108, %scan3A_109 : i32
    %scan3A_111 = arith.constant 2 : i32
    scf.for %scan3A_173 = %scan3A_108 to %scan3A_110 step %scan3A_111  : i32 {
      %get3A = arith.index_cast %scan3A_173 : i32 to index
      %get3A_174 = arith.constant 0 : index
      %get3A_175 = tpu.vector_load %arg12[%get3A, %get3A_174] {strides = array<i32>} : memref<200x128xf32, #tpu.memory_space<vmem>>, vector<1x16xf32>,
      %get3A_176 = vector.shape_cast %get3A_175 : vector<1x16xf32> to vector<16xf32>
      %swap3A = arith.index_cast %scan3A_173 : i32 to index
      %swap3A_177 = arith.constant 0 : index
      %swap3A_178 = tpu.vector_load %arg9[%swap3A, %swap3A_177] {strides = array<i32>} : memref<200x128xf32, #tpu.memory_space<vmem>>, vector<1x16xf32>,
      %swap3A_179 = vector.shape_cast %swap3A_178 : vector<1x16xf32> to vector<16xf32>
      %swap3A_180 = vector.shape_cast %get3A_176 : vector<16xf32> to vector<1x16xf32>
      tpu.vector_store %arg9[%swap3A, %swap3A_177], %swap3A_180 {add = true, strides = array<i32>} : memref<200x128xf32, #tpu.memory_space<vmem>>, vector<1x16xf32>,
      %get3A_181 = arith.index_cast %scan3A_173 : i32 to index
      %get3A_182 = arith.constant 16 : index
      %get3A_183 = tpu.vector_load %arg12[%get3A_181, %get3A_182] {strides = array<i32>} : memref<200x128xf32, #tpu.memory_space<vmem>>, vector<1x16xf32>,
      %get3A_184 = vector.shape_cast %get3A_183 : vector<1x16xf32> to vector<16xf32>
      %swap3A_185 = arith.index_cast %scan3A_173 : i32 to index
      %swap3A_186 = arith.constant 16 : index
      %swap3A_187 = tpu.vector_load %arg9[%swap3A_185, %swap3A_186] {strides = array<i32>} : memref<200x128xf32, #tpu.memory_space<vmem>>, vector<1x16xf32>,
      %swap3A_188 = vector.shape_cast %swap3A_187 : vector<1x16xf32> to vector<16xf32>
      %swap3A_189 = vector.shape_cast %get3A_184 : vector<16xf32> to vector<1x16xf32>
      tpu.vector_store %arg9[%swap3A_185, %swap3A_186], %swap3A_189 {add = true, strides = array<i32>} : memref<200x128xf32, #tpu.memory_space<vmem>>, vector<1x16xf32>,
      %get3A_190 = arith.index_cast %scan3A_173 : i32 to index
      %get3A_191 = arith.constant 32 : index
      %get3A_192 = tpu.vector_load %arg12[%get3A_190, %get3A_191] {strides = array<i32>} : memref<200x128xf32, #tpu.memory_space<vmem>>, vector<1x16xf32>,
      %get3A_193 = vector.shape_cast %get3A_192 : vector<1x16xf32> to vector<16xf32>
      %swap3A_194 = arith.index_cast %scan3A_173 : i32 to index
      %swap3A_195 = arith.constant 32 : index
      %swap3A_196 = tpu.vector_load %arg9[%swap3A_194, %swap3A_195] {strides = array<i32>} : memref<200x128xf32, #tpu.memory_space<vmem>>, vector<1x16xf32>,
      %swap3A_197 = vector.shape_cast %swap3A_196 : vector<1x16xf32> to vector<16xf32>
      %swap3A_198 = vector.shape_cast %get3A_193 : vector<16xf32> to vector<1x16xf32>
      tpu.vector_store %arg9[%swap3A_194, %swap3A_195], %swap3A_198 {add = true, strides = array<i32>} : memref<200x128xf32, #tpu.memory_space<vmem>>, vector<1x16xf32>,
      %get3A_199 = arith.index_cast %scan3A_173 : i32 to index
      %get3A_200 = arith.constant 48 : index
      %get3A_201 = tpu.vector_load %arg12[%get3A_199, %get3A_200] {strides = array<i32>} : memref<200x128xf32, #tpu.memory_space<vmem>>, vector<1x16xf32>,
      %get3A_202 = vector.shape_cast %get3A_201 : vector<1x16xf32> to vector<16xf32>
      %swap3A_203 = arith.index_cast %scan3A_173 : i32 to index
      %swap3A_204 = arith.constant 48 : index
      %swap3A_205 = tpu.vector_load %arg9[%swap3A_203, %swap3A_204] {strides = array<i32>} : memref<200x128xf32, #tpu.memory_space<vmem>>, vector<1x16xf32>,
      %swap3A_206 = vector.shape_cast %swap3A_205 : vector<1x16xf32> to vector<16xf32>
      %swap3A_207 = vector.shape_cast %get3A_202 : vector<16xf32> to vector<1x16xf32>
      tpu.vector_store %arg9[%swap3A_203, %swap3A_204], %swap3A_207 {add = true, strides = array<i32>} : memref<200x128xf32, #tpu.memory_space<vmem>>, vector<1x16xf32>,
      %get3A_208 = arith.index_cast %scan3A_173 : i32 to index
      %get3A_209 = arith.constant 64 : index
      %get3A_210 = tpu.vector_load %arg12[%get3A_208, %get3A_209] {strides = array<i32>} : memref<200x128xf32, #tpu.memory_space<vmem>>, vector<1x16xf32>,
      %get3A_211 = vector.shape_cast %get3A_210 : vector<1x16xf32> to vector<16xf32>
      %swap3A_212 = arith.index_cast %scan3A_173 : i32 to index
      %swap3A_213 = arith.constant 64 : index
      %swap3A_214 = tpu.vector_load %arg9[%swap3A_212, %swap3A_213] {strides = array<i32>} : memref<200x128xf32, #tpu.memory_space<vmem>>, vector<1x16xf32>,
      %swap3A_215 = vector.shape_cast %swap3A_214 : vector<1x16xf32> to vector<16xf32>
      %swap3A_216 = vector.shape_cast %get3A_211 : vector<16xf32> to vector<1x16xf32>
      tpu.vector_store %arg9[%swap3A_212, %swap3A_213], %swap3A_216 {add = true, strides = array<i32>} : memref<200x128xf32, #tpu.memory_space<vmem>>, vector<1x16xf32>,
      %get3A_217 = arith.index_cast %scan3A_173 : i32 to index
      %get3A_218 = arith.constant 80 : index
      %get3A_219 = tpu.vector_load %arg12[%get3A_217, %get3A_218] {strides = array<i32>} : memref<200x128xf32, #tpu.memory_space<vmem>>, vector<1x16xf32>,
      %get3A_220 = vector.shape_cast %get3A_219 : vector<1x16xf32> to vector<16xf32>
      %swap3A_221 = arith.index_cast %scan3A_173 : i32 to index
      %swap3A_222 = arith.constant 80 : index
      %swap3A_223 = tpu.vector_load %arg9[%swap3A_221, %swap3A_222] {strides = array<i32>} : memref<200x128xf32, #tpu.memory_space<vmem>>, vector<1x16xf32>,
      %swap3A_224 = vector.shape_cast %swap3A_223 : vector<1x16xf32> to vector<16xf32>
      %swap3A_225 = vector.shape_cast %get3A_220 : vector<16xf32> to vector<1x16xf32>
      tpu.vector_store %arg9[%swap3A_221, %swap3A_222], %swap3A_225 {add = true, strides = array<i32>} : memref<200x128xf32, #tpu.memory_space<vmem>>, vector<1x16xf32>,
      %get3A_226 = arith.index_cast %scan3A_173 : i32 to index
      %get3A_227 = arith.constant 96 : index
      %get3A_228 = tpu.vector_load %arg12[%get3A_226, %get3A_227] {strides = array<i32>} : memref<200x128xf32, #tpu.memory_space<vmem>>, vector<1x16xf32>,
      %get3A_229 = vector.shape_cast %get3A_228 : vector<1x16xf32> to vector<16xf32>
      %swap3A_230 = arith.index_cast %scan3A_173 : i32 to index
      %swap3A_231 = arith.constant 96 : index
      %swap3A_232 = tpu.vector_load %arg9[%swap3A_230, %swap3A_231] {strides = array<i32>} : memref<200x128xf32, #tpu.memory_space<vmem>>, vector<1x16xf32>,
      %swap3A_233 = vector.shape_cast %swap3A_232 : vector<1x16xf32> to vector<16xf32>
      %swap3A_234 = vector.shape_cast %get3A_229 : vector<16xf32> to vector<1x16xf32>
      tpu.vector_store %arg9[%swap3A_230, %swap3A_231], %swap3A_234 {add = true, strides = array<i32>} : memref<200x128xf32, #tpu.memory_space<vmem>>, vector<1x16xf32>,
      %get3A_235 = arith.index_cast %scan3A_173 : i32 to index
      %get3A_236 = arith.constant 112 : index
      %get3A_237 = tpu.vector_load %arg12[%get3A_235, %get3A_236] {strides = array<i32>} : memref<200x128xf32, #tpu.memory_space<vmem>>, vector<1x16xf32>,
      %get3A_238 = vector.shape_cast %get3A_237 : vector<1x16xf32> to vector<16xf32>
      %swap3A_239 = arith.index_cast %scan3A_173 : i32 to index
      %swap3A_240 = arith.constant 112 : index
      %swap3A_241 = tpu.vector_load %arg9[%swap3A_239, %swap3A_240] {strides = array<i32>} : memref<200x128xf32, #tpu.memory_space<vmem>>, vector<1x16xf32>,
      %swap3A_242 = vector.shape_cast %swap3A_241 : vector<1x16xf32> to vector<16xf32>
      %swap3A_243 = vector.shape_cast %get3A_238 : vector<16xf32> to vector<1x16xf32>
      tpu.vector_store %arg9[%swap3A_239, %swap3A_240], %swap3A_243 {add = true, strides = array<i32>} : memref<200x128xf32, #tpu.memory_space<vmem>>, vector<1x16xf32>,
      %scan3A_244 = arith.constant 1 : i32
      %scan3A_245 = arith.addi %scan3A_173, %scan3A_244 : i32
      %get3A_246 = arith.index_cast %scan3A_245 : i32 to index
      %get3A_247 = arith.constant 0 : index
      %get3A_248 = tpu.vector_load %arg12[%get3A_246, %get3A_247] {strides = array<i32>} : memref<200x128xf32, #tpu.memory_space<vmem>>, vector<1x16xf32>,
      %get3A_249 = vector.shape_cast %get3A_248 : vector<1x16xf32> to vector<16xf32>
      %swap3A_250 = arith.index_cast %scan3A_245 : i32 to index
      %swap3A_251 = arith.constant 0 : index
      %swap3A_252 = tpu.vector_load %arg9[%swap3A_250, %swap3A_251] {strides = array<i32>} : memref<200x128xf32, #tpu.memory_space<vmem>>, vector<1x16xf32>,
      %swap3A_253 = vector.shape_cast %swap3A_252 : vector<1x16xf32> to vector<16xf32>
      %swap3A_254 = vector.shape_cast %get3A_249 : vector<16xf32> to vector<1x16xf32>
      tpu.vector_store %arg9[%swap3A_250, %swap3A_251], %swap3A_254 {add = true, strides = array<i32>} : memref<200x128xf32, #tpu.memory_space<vmem>>, vector<1x16xf32>,
      %get3A_255 = arith.index_cast %scan3A_245 : i32 to index
      %get3A_256 = arith.constant 16 : index
      %get3A_257 = tpu.vector_load %arg12[%get3A_255, %get3A_256] {strides = array<i32>} : memref<200x128xf32, #tpu.memory_space<vmem>>, vector<1x16xf32>,
      %get3A_258 = vector.shape_cast %get3A_257 : vector<1x16xf32> to vector<16xf32>
      %swap3A_259 = arith.index_cast %scan3A_245 : i32 to index
      %swap3A_260 = arith.constant 16 : index
      %swap3A_261 = tpu.vector_load %arg9[%swap3A_259, %swap3A_260] {strides = array<i32>} : memref<200x128xf32, #tpu.memory_space<vmem>>, vector<1x16xf32>,
      %swap3A_262 = vector.shape_cast %swap3A_261 : vector<1x16xf32> to vector<16xf32>
      %swap3A_263 = vector.shape_cast %get3A_258 : vector<16xf32> to vector<1x16xf32>
      tpu.vector_store %arg9[%swap3A_259, %swap3A_260], %swap3A_263 {add = true, strides = array<i32>} : memref<200x128xf32, #tpu.memory_space<vmem>>, vector<1x16xf32>,
      %get3A_264 = arith.index_cast %scan3A_245 : i32 to index
      %get3A_265 = arith.constant 32 : index
      %get3A_266 = tpu.vector_load %arg12[%get3A_264, %get3A_265] {strides = array<i32>} : memref<200x128xf32, #tpu.memory_space<vmem>>, vector<1x16xf32>,
      %get3A_267 = vector.shape_cast %get3A_266 : vector<1x16xf32> to vector<16xf32>
      %swap3A_268 = arith.index_cast %scan3A_245 : i32 to index
      %swap3A_269 = arith.constant 32 : index
      %swap3A_270 = tpu.vector_load %arg9[%swap3A_268, %swap3A_269] {strides = array<i32>} : memref<200x128xf32, #tpu.memory_space<vmem>>, vector<1x16xf32>,
      %swap3A_271 = vector.shape_cast %swap3A_270 : vector<1x16xf32> to vector<16xf32>
      %swap3A_272 = vector.shape_cast %get3A_267 : vector<16xf32> to vector<1x16xf32>
      tpu.vector_store %arg9[%swap3A_268, %swap3A_269], %swap3A_272 {add = true, strides = array<i32>} : memref<200x128xf32, #tpu.memory_space<vmem>>, vector<1x16xf32>,
      %get3A_273 = arith.index_cast %scan3A_245 : i32 to index
      %get3A_274 = arith.constant 48 : index
      %get3A_275 = tpu.vector_load %arg12[%get3A_273, %get3A_274] {strides = array<i32>} : memref<200x128xf32, #tpu.memory_space<vmem>>, vector<1x16xf32>,
      %get3A_276 = vector.shape_cast %get3A_275 : vector<1x16xf32> to vector<16xf32>
      %swap3A_277 = arith.index_cast %scan3A_245 : i32 to index
      %swap3A_278 = arith.constant 48 : index
      %swap3A_279 = tpu.vector_load %arg9[%swap3A_277, %swap3A_278] {strides = array<i32>} : memref<200x128xf32, #tpu.memory_space<vmem>>, vector<1x16xf32>,
      %swap3A_280 = vector.shape_cast %swap3A_279 : vector<1x16xf32> to vector<16xf32>
      %swap3A_281 = vector.shape_cast %get3A_276 : vector<16xf32> to vector<1x16xf32>
      tpu.vector_store %arg9[%swap3A_277, %swap3A_278], %swap3A_281 {add = true, strides = array<i32>} : memref<200x128xf32, #tpu.memory_space<vmem>>, vector<1x16xf32>,
      %get3A_282 = arith.index_cast %scan3A_245 : i32 to index
      %get3A_283 = arith.constant 64 : index
      %get3A_284 = tpu.vector_load %arg12[%get3A_282, %get3A_283] {strides = array<i32>} : memref<200x128xf32, #tpu.memory_space<vmem>>, vector<1x16xf32>,
      %get3A_285 = vector.shape_cast %get3A_284 : vector<1x16xf32> to vector<16xf32>
      %swap3A_286 = arith.index_cast %scan3A_245 : i32 to index
      %swap3A_287 = arith.constant 64 : index
      %swap3A_288 = tpu.vector_load %arg9[%swap3A_286, %swap3A_287] {strides = array<i32>} : memref<200x128xf32, #tpu.memory_space<vmem>>, vector<1x16xf32>,
      %swap3A_289 = vector.shape_cast %swap3A_288 : vector<1x16xf32> to vector<16xf32>
      %swap3A_290 = vector.shape_cast %get3A_285 : vector<16xf32> to vector<1x16xf32>
      tpu.vector_store %arg9[%swap3A_286, %swap3A_287], %swap3A_290 {add = true, strides = array<i32>} : memref<200x128xf32, #tpu.memory_space<vmem>>, vector<1x16xf32>,
      %get3A_291 = arith.index_cast %scan3A_245 : i32 to index
      %get3A_292 = arith.constant 80 : index
      %get3A_293 = tpu.vector_load %arg12[%get3A_291, %get3A_292] {strides = array<i32>} : memref<200x128xf32, #tpu.memory_space<vmem>>, vector<1x16xf32>,
      %get3A_294 = vector.shape_cast %get3A_293 : vector<1x16xf32> to vector<16xf32>
      %swap3A_295 = arith.index_cast %scan3A_245 : i32 to index
      %swap3A_296 = arith.constant 80 : index
      %swap3A_297 = tpu.vector_load %arg9[%swap3A_295, %swap3A_296] {strides = array<i32>} : memref<200x128xf32, #tpu.memory_space<vmem>>, vector<1x16xf32>,
      %swap3A_298 = vector.shape_cast %swap3A_297 : vector<1x16xf32> to vector<16xf32>
      %swap3A_299 = vector.shape_cast %get3A_294 : vector<16xf32> to vector<1x16xf32>
      tpu.vector_store %arg9[%swap3A_295, %swap3A_296], %swap3A_299 {add = true, strides = array<i32>} : memref<200x128xf32, #tpu.memory_space<vmem>>, vector<1x16xf32>,
      %get3A_300 = arith.index_cast %scan3A_245 : i32 to index
      %get3A_301 = arith.constant 96 : index
      %get3A_302 = tpu.vector_load %arg12[%get3A_300, %get3A_301] {strides = array<i32>} : memref<200x128xf32, #tpu.memory_space<vmem>>, vector<1x16xf32>,
      %get3A_303 = vector.shape_cast %get3A_302 : vector<1x16xf32> to vector<16xf32>
      %swap3A_304 = arith.index_cast %scan3A_245 : i32 to index
      %swap3A_305 = arith.constant 96 : index
      %swap3A_306 = tpu.vector_load %arg9[%swap3A_304, %swap3A_305] {strides = array<i32>} : memref<200x128xf32, #tpu.memory_space<vmem>>, vector<1x16xf32>,
      %swap3A_307 = vector.shape_cast %swap3A_306 : vector<1x16xf32> to vector<16xf32>
      %swap3A_308 = vector.shape_cast %get3A_303 : vector<16xf32> to vector<1x16xf32>
      tpu.vector_store %arg9[%swap3A_304, %swap3A_305], %swap3A_308 {add = true, strides = array<i32>} : memref<200x128xf32, #tpu.memory_space<vmem>>, vector<1x16xf32>,
      %get3A_309 = arith.index_cast %scan3A_245 : i32 to index
      %get3A_310 = arith.constant 112 : index
      %get3A_311 = tpu.vector_load %arg12[%get3A_309, %get3A_310] {strides = array<i32>} : memref<200x128xf32, #tpu.memory_space<vmem>>, vector<1x16xf32>,
      %get3A_312 = vector.shape_cast %get3A_311 : vector<1x16xf32> to vector<16xf32>
      %swap3A_313 = arith.index_cast %scan3A_245 : i32 to index
      %swap3A_314 = arith.constant 112 : index
      %swap3A_315 = tpu.vector_load %arg9[%swap3A_313, %swap3A_314] {strides = array<i32>} : memref<200x128xf32, #tpu.memory_space<vmem>>, vector<1x16xf32>,
      %swap3A_316 = vector.shape_cast %swap3A_315 : vector<1x16xf32> to vector<16xf32>
      %swap3A_317 = vector.shape_cast %get3A_312 : vector<16xf32> to vector<1x16xf32>
      tpu.vector_store %arg9[%swap3A_313, %swap3A_314], %swap3A_317 {add = true, strides = array<i32>} : memref<200x128xf32, #tpu.memory_space<vmem>>, vector<1x16xf32>,
    }
    %scan3A_112 = arith.constant 200 : i32
    %add3A_113 = arith.constant 126 : i32
    %add3A_114 = arith.addi %mul3A_2, %add3A_113 : i32
    %mul3A_115 = arith.constant 200 : i32
    %mul3A_116 = arith.muli %add3A_114, %mul3A_115 : i32
    %dma_start3A_117 = arith.constant 0 : i32
    %dma_start3A_118 = tpu.memref_slice %arg5[%mul3A_116, %dma_start3A_117] : memref<819200x128xf32, #tpu.memory_space<hbm>> -> memref<200x128xf32, #tpu.memory_space<hbm>>
    %dma_start3A_119 = arith.constant 0 : i32
    %dma_start3A_120 = tpu.memref_slice %arg5[%mul3A_116, %dma_start3A_119] : memref<819200x128xf32, #tpu.memory_space<hbm>> -> memref<200x128xf32, #tpu.memory_space<hbm>>
    tpu.enqueue_dma source(%arg9 : memref<200x128xf32, #tpu.memory_space<vmem>>) target(%dma_start3A_120 : memref<200x128xf32, #tpu.memory_space<hbm>>) target_semaphore(%arg19 : memref<!tpu.dma_semaphore, #tpu.memory_space<semaphore_mem>>)
    %dma_wait3A_121 = arith.constant 0 : i32
    %dma_wait3A_122 = arith.constant 0 : i32
    %dma_wait3A_123 = arith.constant 0 : i32
    %dma_wait3A_124 = tpu.memref_slice %arg10[%dma_wait3A_122, %dma_wait3A_123] : memref<200x128xf32, #tpu.memory_space<vmem>> -> memref<100x128xf32, #tpu.memory_space<vmem>>
    %dma_wait3A_125 = arith.constant 0 : i32
    %dma_wait3A_126 = tpu.memref_slice %arg7[%dma_wait3A_121, %dma_wait3A_125] : memref<2x100xi32, #tpu.memory_space<vmem>> -> memref<1x100xi32, #tpu.memory_space<vmem>>
    %dma_wait3A_127 = tpu.memref_squeeze %dma_wait3A_126 : memref<1x100xi32, #tpu.memory_space<vmem>> -> memref<100xi32, #tpu.memory_space<vmem>>
    %dma_wait3A_128 = arith.constant 0 : i32
    %dma_wait3A_129 = arith.constant 0 : i32
    %dma_wait3A_130 = tpu.memref_slice %arg3[%dma_wait3A_128, %dma_wait3A_129] : memref<100000x128xf32, #tpu.memory_space<hbm>> -> memref<100000x128xf32, #tpu.memory_space<hbm>>
    tpu.wait_indirect_dma semaphore(%arg17 : memref<!tpu.dma_semaphore, #tpu.memory_space<semaphore_mem>>) src(%dma_wait3A_130 : memref<100000x128xf32, #tpu.memory_space<hbm>>) dst(%dma_wait3A_124 : memref<100x128xf32, #tpu.memory_space<vmem>>)
    %dma_wait3A_131 = arith.constant 0 : i32
    %dma_wait3A_132 = arith.constant 100 : i32
    %dma_wait3A_133 = arith.constant 0 : i32
    %dma_wait3A_134 = tpu.memref_slice %arg10[%dma_wait3A_132, %dma_wait3A_133] : memref<200x128xf32, #tpu.memory_space<vmem>> -> memref<100x128xf32, #tpu.memory_space<vmem>>
    %dma_wait3A_135 = arith.constant 0 : i32
    %dma_wait3A_136 = tpu.memref_slice %arg7[%dma_wait3A_131, %dma_wait3A_135] : memref<2x100xi32, #tpu.memory_space<vmem>> -> memref<1x100xi32, #tpu.memory_space<vmem>>
    %dma_wait3A_137 = tpu.memref_squeeze %dma_wait3A_136 : memref<1x100xi32, #tpu.memory_space<vmem>> -> memref<100xi32, #tpu.memory_space<vmem>>
    %dma_wait3A_138 = arith.constant 0 : i32
    %dma_wait3A_139 = arith.constant 0 : i32
    %dma_wait3A_140 = tpu.memref_slice %arg3[%dma_wait3A_138, %dma_wait3A_139] : memref<100000x128xf32, #tpu.memory_space<hbm>> -> memref<100000x128xf32, #tpu.memory_space<hbm>>
    tpu.wait_indirect_dma semaphore(%arg17 : memref<!tpu.dma_semaphore, #tpu.memory_space<semaphore_mem>>) src(%dma_wait3A_140 : memref<100000x128xf32, #tpu.memory_space<hbm>>) dst(%dma_wait3A_134 : memref<100x128xf32, #tpu.memory_space<vmem>>)
    %scan3A_141 = arith.constant 0 : i32
    %scan3A_142 = arith.constant 0 : i32
    %scan3A_143 = arith.constant 200 : i32
    %scan3A_144 = arith.addi %scan3A_142, %scan3A_143 : i32
    %scan3A_145 = arith.constant 2 : i32
    scf.for %scan3A_173 = %scan3A_142 to %scan3A_144 step %scan3A_145  : i32 {
      %get3A = arith.index_cast %scan3A_173 : i32 to index
      %get3A_174 = arith.constant 0 : index
      %get3A_175 = tpu.vector_load %arg12[%get3A, %get3A_174] {strides = array<i32>} : memref<200x128xf32, #tpu.memory_space<vmem>>, vector<1x16xf32>,
      %get3A_176 = vector.shape_cast %get3A_175 : vector<1x16xf32> to vector<16xf32>
      %swap3A = arith.index_cast %scan3A_173 : i32 to index
      %swap3A_177 = arith.constant 0 : index
      %swap3A_178 = tpu.vector_load %arg10[%swap3A, %swap3A_177] {strides = array<i32>} : memref<200x128xf32, #tpu.memory_space<vmem>>, vector<1x16xf32>,
      %swap3A_179 = vector.shape_cast %swap3A_178 : vector<1x16xf32> to vector<16xf32>
      %swap3A_180 = vector.shape_cast %get3A_176 : vector<16xf32> to vector<1x16xf32>
      tpu.vector_store %arg10[%swap3A, %swap3A_177], %swap3A_180 {add = true, strides = array<i32>} : memref<200x128xf32, #tpu.memory_space<vmem>>, vector<1x16xf32>,
      %get3A_181 = arith.index_cast %scan3A_173 : i32 to index
      %get3A_182 = arith.constant 16 : index
      %get3A_183 = tpu.vector_load %arg12[%get3A_181, %get3A_182] {strides = array<i32>} : memref<200x128xf32, #tpu.memory_space<vmem>>, vector<1x16xf32>,
      %get3A_184 = vector.shape_cast %get3A_183 : vector<1x16xf32> to vector<16xf32>
      %swap3A_185 = arith.index_cast %scan3A_173 : i32 to index
      %swap3A_186 = arith.constant 16 : index
      %swap3A_187 = tpu.vector_load %arg10[%swap3A_185, %swap3A_186] {strides = array<i32>} : memref<200x128xf32, #tpu.memory_space<vmem>>, vector<1x16xf32>,
      %swap3A_188 = vector.shape_cast %swap3A_187 : vector<1x16xf32> to vector<16xf32>
      %swap3A_189 = vector.shape_cast %get3A_184 : vector<16xf32> to vector<1x16xf32>
      tpu.vector_store %arg10[%swap3A_185, %swap3A_186], %swap3A_189 {add = true, strides = array<i32>} : memref<200x128xf32, #tpu.memory_space<vmem>>, vector<1x16xf32>,
      %get3A_190 = arith.index_cast %scan3A_173 : i32 to index
      %get3A_191 = arith.constant 32 : index
      %get3A_192 = tpu.vector_load %arg12[%get3A_190, %get3A_191] {strides = array<i32>} : memref<200x128xf32, #tpu.memory_space<vmem>>, vector<1x16xf32>,
      %get3A_193 = vector.shape_cast %get3A_192 : vector<1x16xf32> to vector<16xf32>
      %swap3A_194 = arith.index_cast %scan3A_173 : i32 to index
      %swap3A_195 = arith.constant 32 : index
      %swap3A_196 = tpu.vector_load %arg10[%swap3A_194, %swap3A_195] {strides = array<i32>} : memref<200x128xf32, #tpu.memory_space<vmem>>, vector<1x16xf32>,
      %swap3A_197 = vector.shape_cast %swap3A_196 : vector<1x16xf32> to vector<16xf32>
      %swap3A_198 = vector.shape_cast %get3A_193 : vector<16xf32> to vector<1x16xf32>
      tpu.vector_store %arg10[%swap3A_194, %swap3A_195], %swap3A_198 {add = true, strides = array<i32>} : memref<200x128xf32, #tpu.memory_space<vmem>>, vector<1x16xf32>,
      %get3A_199 = arith.index_cast %scan3A_173 : i32 to index
      %get3A_200 = arith.constant 48 : index
      %get3A_201 = tpu.vector_load %arg12[%get3A_199, %get3A_200] {strides = array<i32>} : memref<200x128xf32, #tpu.memory_space<vmem>>, vector<1x16xf32>,
      %get3A_202 = vector.shape_cast %get3A_201 : vector<1x16xf32> to vector<16xf32>
      %swap3A_203 = arith.index_cast %scan3A_173 : i32 to index
      %swap3A_204 = arith.constant 48 : index
      %swap3A_205 = tpu.vector_load %arg10[%swap3A_203, %swap3A_204] {strides = array<i32>} : memref<200x128xf32, #tpu.memory_space<vmem>>, vector<1x16xf32>,
      %swap3A_206 = vector.shape_cast %swap3A_205 : vector<1x16xf32> to vector<16xf32>
      %swap3A_207 = vector.shape_cast %get3A_202 : vector<16xf32> to vector<1x16xf32>
      tpu.vector_store %arg10[%swap3A_203, %swap3A_204], %swap3A_207 {add = true, strides = array<i32>} : memref<200x128xf32, #tpu.memory_space<vmem>>, vector<1x16xf32>,
      %get3A_208 = arith.index_cast %scan3A_173 : i32 to index
      %get3A_209 = arith.constant 64 : index
      %get3A_210 = tpu.vector_load %arg12[%get3A_208, %get3A_209] {strides = array<i32>} : memref<200x128xf32, #tpu.memory_space<vmem>>, vector<1x16xf32>,
      %get3A_211 = vector.shape_cast %get3A_210 : vector<1x16xf32> to vector<16xf32>
      %swap3A_212 = arith.index_cast %scan3A_173 : i32 to index
      %swap3A_213 = arith.constant 64 : index
      %swap3A_214 = tpu.vector_load %arg10[%swap3A_212, %swap3A_213] {strides = array<i32>} : memref<200x128xf32, #tpu.memory_space<vmem>>, vector<1x16xf32>,
      %swap3A_215 = vector.shape_cast %swap3A_214 : vector<1x16xf32> to vector<16xf32>
      %swap3A_216 = vector.shape_cast %get3A_211 : vector<16xf32> to vector<1x16xf32>
      tpu.vector_store %arg10[%swap3A_212, %swap3A_213], %swap3A_216 {add = true, strides = array<i32>} : memref<200x128xf32, #tpu.memory_space<vmem>>, vector<1x16xf32>,
      %get3A_217 = arith.index_cast %scan3A_173 : i32 to index
      %get3A_218 = arith.constant 80 : index
      %get3A_219 = tpu.vector_load %arg12[%get3A_217, %get3A_218] {strides = array<i32>} : memref<200x128xf32, #tpu.memory_space<vmem>>, vector<1x16xf32>,
      %get3A_220 = vector.shape_cast %get3A_219 : vector<1x16xf32> to vector<16xf32>
      %swap3A_221 = arith.index_cast %scan3A_173 : i32 to index
      %swap3A_222 = arith.constant 80 : index
      %swap3A_223 = tpu.vector_load %arg10[%swap3A_221, %swap3A_222] {strides = array<i32>} : memref<200x128xf32, #tpu.memory_space<vmem>>, vector<1x16xf32>,
      %swap3A_224 = vector.shape_cast %swap3A_223 : vector<1x16xf32> to vector<16xf32>
      %swap3A_225 = vector.shape_cast %get3A_220 : vector<16xf32> to vector<1x16xf32>
      tpu.vector_store %arg10[%swap3A_221, %swap3A_222], %swap3A_225 {add = true, strides = array<i32>} : memref<200x128xf32, #tpu.memory_space<vmem>>, vector<1x16xf32>,
      %get3A_226 = arith.index_cast %scan3A_173 : i32 to index
      %get3A_227 = arith.constant 96 : index
      %get3A_228 = tpu.vector_load %arg12[%get3A_226, %get3A_227] {strides = array<i32>} : memref<200x128xf32, #tpu.memory_space<vmem>>, vector<1x16xf32>,
      %get3A_229 = vector.shape_cast %get3A_228 : vector<1x16xf32> to vector<16xf32>
      %swap3A_230 = arith.index_cast %scan3A_173 : i32 to index
      %swap3A_231 = arith.constant 96 : index
      %swap3A_232 = tpu.vector_load %arg10[%swap3A_230, %swap3A_231] {strides = array<i32>} : memref<200x128xf32, #tpu.memory_space<vmem>>, vector<1x16xf32>,
      %swap3A_233 = vector.shape_cast %swap3A_232 : vector<1x16xf32> to vector<16xf32>
      %swap3A_234 = vector.shape_cast %get3A_229 : vector<16xf32> to vector<1x16xf32>
      tpu.vector_store %arg10[%swap3A_230, %swap3A_231], %swap3A_234 {add = true, strides = array<i32>} : memref<200x128xf32, #tpu.memory_space<vmem>>, vector<1x16xf32>,
      %get3A_235 = arith.index_cast %scan3A_173 : i32 to index
      %get3A_236 = arith.constant 112 : index
      %get3A_237 = tpu.vector_load %arg12[%get3A_235, %get3A_236] {strides = array<i32>} : memref<200x128xf32, #tpu.memory_space<vmem>>, vector<1x16xf32>,
      %get3A_238 = vector.shape_cast %get3A_237 : vector<1x16xf32> to vector<16xf32>
      %swap3A_239 = arith.index_cast %scan3A_173 : i32 to index
      %swap3A_240 = arith.constant 112 : index
      %swap3A_241 = tpu.vector_load %arg10[%swap3A_239, %swap3A_240] {strides = array<i32>} : memref<200x128xf32, #tpu.memory_space<vmem>>, vector<1x16xf32>,
      %swap3A_242 = vector.shape_cast %swap3A_241 : vector<1x16xf32> to vector<16xf32>
      %swap3A_243 = vector.shape_cast %get3A_238 : vector<16xf32> to vector<1x16xf32>
      tpu.vector_store %arg10[%swap3A_239, %swap3A_240], %swap3A_243 {add = true, strides = array<i32>} : memref<200x128xf32, #tpu.memory_space<vmem>>, vector<1x16xf32>,
      %scan3A_244 = arith.constant 1 : i32
      %scan3A_245 = arith.addi %scan3A_173, %scan3A_244 : i32
      %get3A_246 = arith.index_cast %scan3A_245 : i32 to index
      %get3A_247 = arith.constant 0 : index
      %get3A_248 = tpu.vector_load %arg12[%get3A_246, %get3A_247] {strides = array<i32>} : memref<200x128xf32, #tpu.memory_space<vmem>>, vector<1x16xf32>,
      %get3A_249 = vector.shape_cast %get3A_248 : vector<1x16xf32> to vector<16xf32>
      %swap3A_250 = arith.index_cast %scan3A_245 : i32 to index
      %swap3A_251 = arith.constant 0 : index
      %swap3A_252 = tpu.vector_load %arg10[%swap3A_250, %swap3A_251] {strides = array<i32>} : memref<200x128xf32, #tpu.memory_space<vmem>>, vector<1x16xf32>,
      %swap3A_253 = vector.shape_cast %swap3A_252 : vector<1x16xf32> to vector<16xf32>
      %swap3A_254 = vector.shape_cast %get3A_249 : vector<16xf32> to vector<1x16xf32>
      tpu.vector_store %arg10[%swap3A_250, %swap3A_251], %swap3A_254 {add = true, strides = array<i32>} : memref<200x128xf32, #tpu.memory_space<vmem>>, vector<1x16xf32>,
      %get3A_255 = arith.index_cast %scan3A_245 : i32 to index
      %get3A_256 = arith.constant 16 : index
      %get3A_257 = tpu.vector_load %arg12[%get3A_255, %get3A_256] {strides = array<i32>} : memref<200x128xf32, #tpu.memory_space<vmem>>, vector<1x16xf32>,
      %get3A_258 = vector.shape_cast %get3A_257 : vector<1x16xf32> to vector<16xf32>
      %swap3A_259 = arith.index_cast %scan3A_245 : i32 to index
      %swap3A_260 = arith.constant 16 : index
      %swap3A_261 = tpu.vector_load %arg10[%swap3A_259, %swap3A_260] {strides = array<i32>} : memref<200x128xf32, #tpu.memory_space<vmem>>, vector<1x16xf32>,
      %swap3A_262 = vector.shape_cast %swap3A_261 : vector<1x16xf32> to vector<16xf32>
      %swap3A_263 = vector.shape_cast %get3A_258 : vector<16xf32> to vector<1x16xf32>
      tpu.vector_store %arg10[%swap3A_259, %swap3A_260], %swap3A_263 {add = true, strides = array<i32>} : memref<200x128xf32, #tpu.memory_space<vmem>>, vector<1x16xf32>,
      %get3A_264 = arith.index_cast %scan3A_245 : i32 to index
      %get3A_265 = arith.constant 32 : index
      %get3A_266 = tpu.vector_load %arg12[%get3A_264, %get3A_265] {strides = array<i32>} : memref<200x128xf32, #tpu.memory_space<vmem>>, vector<1x16xf32>,
      %get3A_267 = vector.shape_cast %get3A_266 : vector<1x16xf32> to vector<16xf32>
      %swap3A_268 = arith.index_cast %scan3A_245 : i32 to index
      %swap3A_269 = arith.constant 32 : index
      %swap3A_270 = tpu.vector_load %arg10[%swap3A_268, %swap3A_269] {strides = array<i32>} : memref<200x128xf32, #tpu.memory_space<vmem>>, vector<1x16xf32>,
      %swap3A_271 = vector.shape_cast %swap3A_270 : vector<1x16xf32> to vector<16xf32>
      %swap3A_272 = vector.shape_cast %get3A_267 : vector<16xf32> to vector<1x16xf32>
      tpu.vector_store %arg10[%swap3A_268, %swap3A_269], %swap3A_272 {add = true, strides = array<i32>} : memref<200x128xf32, #tpu.memory_space<vmem>>, vector<1x16xf32>,
      %get3A_273 = arith.index_cast %scan3A_245 : i32 to index
      %get3A_274 = arith.constant 48 : index
      %get3A_275 = tpu.vector_load %arg12[%get3A_273, %get3A_274] {strides = array<i32>} : memref<200x128xf32, #tpu.memory_space<vmem>>, vector<1x16xf32>,
      %get3A_276 = vector.shape_cast %get3A_275 : vector<1x16xf32> to vector<16xf32>
      %swap3A_277 = arith.index_cast %scan3A_245 : i32 to index
      %swap3A_278 = arith.constant 48 : index
      %swap3A_279 = tpu.vector_load %arg10[%swap3A_277, %swap3A_278] {strides = array<i32>} : memref<200x128xf32, #tpu.memory_space<vmem>>, vector<1x16xf32>,
      %swap3A_280 = vector.shape_cast %swap3A_279 : vector<1x16xf32> to vector<16xf32>
      %swap3A_281 = vector.shape_cast %get3A_276 : vector<16xf32> to vector<1x16xf32>
      tpu.vector_store %arg10[%swap3A_277, %swap3A_278], %swap3A_281 {add = true, strides = array<i32>} : memref<200x128xf32, #tpu.memory_space<vmem>>, vector<1x16xf32>,
      %get3A_282 = arith.index_cast %scan3A_245 : i32 to index
      %get3A_283 = arith.constant 64 : index
      %get3A_284 = tpu.vector_load %arg12[%get3A_282, %get3A_283] {strides = array<i32>} : memref<200x128xf32, #tpu.memory_space<vmem>>, vector<1x16xf32>,
      %get3A_285 = vector.shape_cast %get3A_284 : vector<1x16xf32> to vector<16xf32>
      %swap3A_286 = arith.index_cast %scan3A_245 : i32 to index
      %swap3A_287 = arith.constant 64 : index
      %swap3A_288 = tpu.vector_load %arg10[%swap3A_286, %swap3A_287] {strides = array<i32>} : memref<200x128xf32, #tpu.memory_space<vmem>>, vector<1x16xf32>,
      %swap3A_289 = vector.shape_cast %swap3A_288 : vector<1x16xf32> to vector<16xf32>
      %swap3A_290 = vector.shape_cast %get3A_285 : vector<16xf32> to vector<1x16xf32>
      tpu.vector_store %arg10[%swap3A_286, %swap3A_287], %swap3A_290 {add = true, strides = array<i32>} : memref<200x128xf32, #tpu.memory_space<vmem>>, vector<1x16xf32>,
      %get3A_291 = arith.index_cast %scan3A_245 : i32 to index
      %get3A_292 = arith.constant 80 : index
      %get3A_293 = tpu.vector_load %arg12[%get3A_291, %get3A_292] {strides = array<i32>} : memref<200x128xf32, #tpu.memory_space<vmem>>, vector<1x16xf32>,
      %get3A_294 = vector.shape_cast %get3A_293 : vector<1x16xf32> to vector<16xf32>
      %swap3A_295 = arith.index_cast %scan3A_245 : i32 to index
      %swap3A_296 = arith.constant 80 : index
      %swap3A_297 = tpu.vector_load %arg10[%swap3A_295, %swap3A_296] {strides = array<i32>} : memref<200x128xf32, #tpu.memory_space<vmem>>, vector<1x16xf32>,
      %swap3A_298 = vector.shape_cast %swap3A_297 : vector<1x16xf32> to vector<16xf32>
      %swap3A_299 = vector.shape_cast %get3A_294 : vector<16xf32> to vector<1x16xf32>
      tpu.vector_store %arg10[%swap3A_295, %swap3A_296], %swap3A_299 {add = true, strides = array<i32>} : memref<200x128xf32, #tpu.memory_space<vmem>>, vector<1x16xf32>,
      %get3A_300 = arith.index_cast %scan3A_245 : i32 to index
      %get3A_301 = arith.constant 96 : index
      %get3A_302 = tpu.vector_load %arg12[%get3A_300, %get3A_301] {strides = array<i32>} : memref<200x128xf32, #tpu.memory_space<vmem>>, vector<1x16xf32>,
      %get3A_303 = vector.shape_cast %get3A_302 : vector<1x16xf32> to vector<16xf32>
      %swap3A_304 = arith.index_cast %scan3A_245 : i32 to index
      %swap3A_305 = arith.constant 96 : index
      %swap3A_306 = tpu.vector_load %arg10[%swap3A_304, %swap3A_305] {strides = array<i32>} : memref<200x128xf32, #tpu.memory_space<vmem>>, vector<1x16xf32>,
      %swap3A_307 = vector.shape_cast %swap3A_306 : vector<1x16xf32> to vector<16xf32>
      %swap3A_308 = vector.shape_cast %get3A_303 : vector<16xf32> to vector<1x16xf32>
      tpu.vector_store %arg10[%swap3A_304, %swap3A_305], %swap3A_308 {add = true, strides = array<i32>} : memref<200x128xf32, #tpu.memory_space<vmem>>, vector<1x16xf32>,
      %get3A_309 = arith.index_cast %scan3A_245 : i32 to index
      %get3A_310 = arith.constant 112 : index
      %get3A_311 = tpu.vector_load %arg12[%get3A_309, %get3A_310] {strides = array<i32>} : memref<200x128xf32, #tpu.memory_space<vmem>>, vector<1x16xf32>,
      %get3A_312 = vector.shape_cast %get3A_311 : vector<1x16xf32> to vector<16xf32>
      %swap3A_313 = arith.index_cast %scan3A_245 : i32 to index
      %swap3A_314 = arith.constant 112 : index
      %swap3A_315 = tpu.vector_load %arg10[%swap3A_313, %swap3A_314] {strides = array<i32>} : memref<200x128xf32, #tpu.memory_space<vmem>>, vector<1x16xf32>,
      %swap3A_316 = vector.shape_cast %swap3A_315 : vector<1x16xf32> to vector<16xf32>
      %swap3A_317 = vector.shape_cast %get3A_312 : vector<16xf32> to vector<1x16xf32>
      tpu.vector_store %arg10[%swap3A_313, %swap3A_314], %swap3A_317 {add = true, strides = array<i32>} : memref<200x128xf32, #tpu.memory_space<vmem>>, vector<1x16xf32>,
    }
    %scan3A_146 = arith.constant 200 : i32
    %add3A_147 = arith.constant 127 : i32
    %add3A_148 = arith.addi %mul3A_2, %add3A_147 : i32
    %mul3A_149 = arith.constant 200 : i32
    %mul3A_150 = arith.muli %add3A_148, %mul3A_149 : i32
    %dma_start3A_151 = arith.constant 0 : i32
    %dma_start3A_152 = tpu.memref_slice %arg5[%mul3A_150, %dma_start3A_151] : memref<819200x128xf32, #tpu.memory_space<hbm>> -> memref<200x128xf32, #tpu.memory_space<hbm>>
    %dma_start3A_153 = arith.constant 0 : i32
    %dma_start3A_154 = tpu.memref_slice %arg5[%mul3A_150, %dma_start3A_153] : memref<819200x128xf32, #tpu.memory_space<hbm>> -> memref<200x128xf32, #tpu.memory_space<hbm>>
    tpu.enqueue_dma source(%arg10 : memref<200x128xf32, #tpu.memory_space<vmem>>) target(%dma_start3A_154 : memref<200x128xf32, #tpu.memory_space<hbm>>) target_semaphore(%arg20 : memref<!tpu.dma_semaphore, #tpu.memory_space<semaphore_mem>>)
    %dma_wait3A_155 = arith.constant 0 : i32
    %dma_wait3A_156 = arith.constant 0 : i32
    %dma_wait3A_157 = tpu.memref_slice %arg5[%dma_wait3A_155, %dma_wait3A_156] : memref<819200x128xf32, #tpu.memory_space<hbm>> -> memref<200x128xf32, #tpu.memory_space<hbm>>
    %dma_wait3A_158 = arith.constant 0 : i32
    %dma_wait3A_159 = arith.constant 0 : i32
    %dma_wait3A_160 = tpu.memref_slice %arg5[%dma_wait3A_158, %dma_wait3A_159] : memref<819200x128xf32, #tpu.memory_space<hbm>> -> memref<200x128xf32, #tpu.memory_space<hbm>>
    tpu.wait_dma2 semaphore(%arg21 : memref<!tpu.dma_semaphore, #tpu.memory_space<semaphore_mem>>) src(%arg11 : memref<200x128xf32, #tpu.memory_space<vmem>>) dst(%dma_wait3A_160 : memref<200x128xf32, #tpu.memory_space<hbm>>)
    %dma_wait3A_161 = arith.constant 0 : i32
    %dma_wait3A_162 = arith.constant 0 : i32
    %dma_wait3A_163 = tpu.memref_slice %arg5[%dma_wait3A_161, %dma_wait3A_162] : memref<819200x128xf32, #tpu.memory_space<hbm>> -> memref<200x128xf32, #tpu.memory_space<hbm>>
    %dma_wait3A_164 = arith.constant 0 : i32
    %dma_wait3A_165 = arith.constant 0 : i32
    %dma_wait3A_166 = tpu.memref_slice %arg5[%dma_wait3A_164, %dma_wait3A_165] : memref<819200x128xf32, #tpu.memory_space<hbm>> -> memref<200x128xf32, #tpu.memory_space<hbm>>
    tpu.wait_dma2 semaphore(%arg19 : memref<!tpu.dma_semaphore, #tpu.memory_space<semaphore_mem>>) src(%arg9 : memref<200x128xf32, #tpu.memory_space<vmem>>) dst(%dma_wait3A_166 : memref<200x128xf32, #tpu.memory_space<hbm>>)
    %dma_wait3A_167 = arith.constant 0 : i32
    %dma_wait3A_168 = arith.constant 0 : i32
    %dma_wait3A_169 = tpu.memref_slice %arg5[%dma_wait3A_167, %dma_wait3A_168] : memref<819200x128xf32, #tpu.memory_space<hbm>> -> memref<200x128xf32, #tpu.memory_space<hbm>>
    %dma_wait3A_170 = arith.constant 0 : i32
    %dma_wait3A_171 = arith.constant 0 : i32
    %dma_wait3A_172 = tpu.memref_slice %arg5[%dma_wait3A_170, %dma_wait3A_171] : memref<819200x128xf32, #tpu.memory_space<hbm>> -> memref<200x128xf32, #tpu.memory_space<hbm>>
    tpu.wait_dma2 semaphore(%arg20 : memref<!tpu.dma_semaphore, #tpu.memory_space<semaphore_mem>>) src(%arg10 : memref<200x128xf32, #tpu.memory_space<vmem>>) dst(%dma_wait3A_172 : memref<200x128xf32, #tpu.memory_space<hbm>>)
    return
  }
}

</mosaic_0001>

<sc_bundles>
// kernel: _run.3.cloned.1.call-start
scs
__scs_entry_jumppad:
0x0: {  	(pc) =	sbr.rel $0x88, $3  }
0x1: {  	(tag) =	ssettag $0x0;
	lr =	simm.s32 $0x1  }
0x2: {  	[smem:$0x3F9E] =	sst lr;
	_ =	strace $0xD0000000  }
0x3: {  	_ = 	snop  }
0x4: {  	_ = 	snop  }
0x5: {  	_ = 	snop  }
0x6: {  	_ = 	snop  }
0x7: {  	_ = 	snop  }
__scs_overlays_trampoline_lowered:
0x8: {  	[smem:$0x3FAD] =	sst s0  }
0x9: {  	[smem:$0x3FAE] =	sst s1  }
0xa: {  	[smem:$0x3FAF] =	sst s2  }
0xb: {  	[smem:$0x3FB0] =	sst s3  }
0xc: {  	[smem:$0x3FB1] =	sst s4  }
0xd: {  	[smem:$0x3FB2] =	sst s5  }
0xe: {  	[smem:$0x3FB3] =	sst s6  }
0xf: {  	[smem:$0x3FB4] =	sst s7  }
0x10: {  	[smem:$0x3FB5] =	sst s8  }
0x11: {  	[smem:$0x3FB6] =	sst s9;
	s0 =	simm.s32 @!p0 $0x0  }
0x12: {  	s1 =	sld [smem:$0x3F9C];
	s0 =	simm.s32 @p0 $0x1  }
0x13: {  	[smem:$0x3FB7] =	sst s0;
	s0 =	simm.s32 @!p1 $0x0  }
0x14: {  	s2 =	sld [smem:$0x3F9B];
	s0 =	simm.s32 @p1 $0x1  }
0x15: {  	[smem:$0x3FB8] =	sst s0;
	s0 =	simm.s32 @!p2 $0x0  }
0x16: {  	s3 =	sld [smem:$0x3FDB];
	s0 =	simm.s32 @p2 $0x1  }
0x17: {  	s4 =	simm.s32 $0x1BF5;
	[smem:$0x3FBA] =	sst s0  }
0x18: {  	s0 =	sld [smem:$0x3F9D];
	_ =	swait.ge [sflag:s4], $0x0  }
0x19: {  	s7 =	sld [smem:$0x3F9E]  }
0x1a: {  	s8 =	sadd.s32 $0xFFFFE003, lr  }
0x1b: {  	s9 =	sadd.s32 $0xFFFFFEF7, lr;
	s5 =	simm.s32 $0xFFFFFFFF;
	p2 =	slt.u32 s8, $0xFFFFF086  }
0x1c: {  	p1 =	slt.u32 s9, $0xF7A;
	s5 =	simm.s32 @!p2 $0x0  }
0x1d: {  	s5 =	simm.s32 @p1 $0x1;
	p0 =	seq.s32 s7, s2  }
0x1e: {  	s7 =	smul.u32 @!p0 $0xF7A, s2;
	p2 =	seq.s32 @!p0 s5, $0x0  }
0x1f: {  	s9 =	smul.u32 $0xF7A, s1;
	s8 =	simm.s32 @!p0 $0x1BF5;
	p2 =	por !p2, p0  }
0x20: {  	[sflag:s8] =	ssyncset.s32 @!p0 $0xFFFFF086;
	s6 =	sadd.s32 @!p0 s3, s7;
	s7 =	simm.s32 @!p0 $0x108  }
0x21: {  	s3 =	sadd.s32 s3, s9;
	s6 =	sadd.s32 @!p0 $0x88, s6;
	s7 =	simm.s32 @p2 $0x1082  }
0x22: {  	[simem:s7], [sflag:s8] =	dma.local @!p0 [hbm:s6], $0xF7A  }
0x23: {  	s9 =	sor.u32 $0xD0000000, s2;
	s6 =	simm.s32 $0x108;
	_ =	swait.ge @!p0 [sflag:s8], $0x0  }
0x24: {  	s3 =	sadd.s32 $0x88, s3;
	s6 =	simm.s32 @!p1 $0x1082;
	[sflag:s4] =	ssyncset.s32 $0xFFFFF086  }
0x25: {  	[simem:s6], [sflag:s4] =	dma.local [hbm:s3], $0xF7A  }
0x26: {  	[smem:$0x3F9E] =	sst s1;
	(tag) =	ssettag s2;
	_ =	strace s9  }
0x27: {  	s1 =	sld [smem:$0x3FAE]  }
0x28: {  	s2 =	sld [smem:$0x3FAF]  }
0x29: {  	s4 =	sld [smem:$0x3FB1]  }
0x2a: {  	p0 =	seq.s32 s5, $0x0;
	s5 =	sld [smem:$0x3FB2]  }
0x2b: {  	s6 =	sld [smem:$0x3FB3]  }
0x2c: {  	s7 =	sld [smem:$0x3FB4]  }
0x2d: {  	s3 =	simm.s32 $0x108;
	s8 =	sld [smem:$0x3FB5]  }
0x2e: {  	s3 =	simm.s32 @!p0 $0x1082;
	s9 =	sld [smem:$0x3FB6]  }
0x2f: {  	lr =	sadd.s32 s0, s3;
	s0 =	sld [smem:$0x3FAD]  }
0x30: {  	s3 =	sld [smem:$0x3FB0]  }
0x31: {  	[smem:$0x3FB9] =	sst s10  }
0x32: {  	s10 =	sld [smem:$0x3FB7];
	_ =	sdelay $0x3  }
0x33: {  	p0 =	seq.s32 s10, $0x1;
	s10 =	sld [smem:$0x3FB9];
	_ =	sdelay $0x3  }
0x34: {  	[smem:$0x3FB9] =	sst s10  }
0x35: {  	s10 =	sld [smem:$0x3FB8];
	_ =	sdelay $0x3  }
0x36: {  	p1 =	seq.s32 s10, $0x1;
	s10 =	sld [smem:$0x3FB9];
	_ =	sdelay $0x3  }
0x37: {  	[smem:$0x3FB9] =	sst s10  }
0x38: {  	s10 =	sld [smem:$0x3FBA]  }
0x39: {  	_ = 	snop;
	(pc) =	sbr.ind lr, $3  }
0x3a: {  	_ = 	snop  }
0x3b: {  	_ = 	snop  }
0x3c: {  	p2 =	seq.s32 s10, $0x1;
	s10 =	sld [smem:$0x3FB9]  }
0x3d: {  	_ =	shalt  }
0x3e: {  	_ =	shalt  }
0x3f: {  	_ =	shalt  }
0x40: {  	_ =	shalt  }
0x41: {  	_ =	shalt  }
0x42: {  	_ =	shalt  }
0x43: {  	_ =	shalt  }
0x44: {  	_ =	shalt  }
0x45: {  	_ =	shalt  }
0x46: {  	_ =	shalt  }
0x47: {  	_ =	shalt  }
0x48: {  	_ =	shalt  }
0x49: {  	_ =	shalt  }
0x4a: {  	_ =	shalt  }
0x4b: {  	_ =	shalt  }
0x4c: {  	_ =	shalt  }
0x4d: {  	_ =	shalt  }
0x4e: {  	_ =	shalt  }
0x4f: {  	_ =	shalt  }
0x50: {  	_ =	shalt  }
0x51: {  	_ =	shalt  }
0x52: {  	_ =	shalt  }
0x53: {  	_ =	shalt  }
0x54: {  	_ =	shalt  }
0x55: {  	_ =	shalt  }
0x56: {  	_ =	shalt  }
0x57: {  	_ =	shalt  }
0x58: {  	_ =	shalt  }
0x59: {  	_ =	shalt  }
0x5a: {  	_ =	shalt  }
0x5b: {  	_ =	shalt  }
0x5c: {  	_ =	shalt  }
0x5d: {  	_ =	shalt  }
0x5e: {  	_ =	shalt  }
0x5f: {  	_ =	shalt  }
0x60: {  	_ =	shalt  }
0x61: {  	_ =	shalt  }
0x62: {  	_ =	shalt  }
0x63: {  	_ =	shalt  }
0x64: {  	_ =	shalt  }
0x65: {  	_ =	shalt  }
0x66: {  	_ =	shalt  }
0x67: {  	_ =	shalt  }
0x68: {  	_ =	shalt  }
0x69: {  	_ =	shalt  }
0x6a: {  	_ =	shalt  }
0x6b: {  	_ =	shalt  }
0x6c: {  	_ =	shalt  }
0x6d: {  	_ =	shalt  }
0x6e: {  	_ =	shalt  }
0x6f: {  	_ =	shalt  }
0x70: {  	_ =	shalt  }
0x71: {  	_ =	shalt  }
0x72: {  	_ =	shalt  }
0x73: {  	_ =	shalt  }
0x74: {  	_ =	shalt  }
0x75: {  	_ =	shalt  }
0x76: {  	_ =	shalt  }
0x77: {  	_ =	shalt  }
0x78: {  	_ =	shalt  }
0x79: {  	_ =	shalt  }
0x7a: {  	_ =	shalt  }
0x7b: {  	_ =	shalt  }
0x7c: {  	_ =	shalt  }
0x7d: {  	_ =	shalt  }
0x7e: {  	_ =	shalt  }
0x7f: {  	_ =	shalt  }
0x80: {  	_ =	shalt  }
0x81: {  	_ =	shalt  }
0x82: {  	_ =	shalt  }
0x83: {  	_ =	shalt  }
0x84: {  	_ =	shalt  }
0x85: {  	_ =	shalt  }
0x86: {  	_ =	shalt  }
0x87: {  	_ =	shalt  }
.Lfunc_end0:
.L_simem_size_0:
called_computation_lowered:
.L_overlay_start_0:
0x88: {  	s2 =	sld [smem:$0x3FD9]  }
0x89: {  	s3 =	sld [smem:$0x3FFE];
	_ =	sdelay $0x1  }
0x8a: {  	s1 =	srdreg.scid  }
0x8b: {  	s0 =	sand.u32 $0x1, s1  }
0x8c: {  	s17 =	sshll.u32 s0, $0xA;
	s2 =	sadd.s32 s3, s2  }
0x8d: {  	s2 =	sadd.s32 s2, s17  }
0x8e: {  	[smem:$0x3FC5] =	sst s2  }
0x8f: {  	_ = 	snop  }
0x90: {  	s2 =	sld [smem:$0x3FC8]  }
0x91: {  	s18 =	sld [smem:$0x3FC7]  }
0x92: {  	s4 =	sld [smem:$0x3FD0];
	(tm) =	ssettm $0x1  }
0x93: {  	s5 =	sld [smem:$0x3FFB];
	_ =	sdelay $0x3  }
0x94: {  	_ =	strace s5  }
0x95: {  	s5 =	sld [smem:$0x3FFC];
	_ =	sdelay $0x3  }
0x96: {  	_ =	strace s5  }
0x97: {  	s5 =	sld [smem:$0x3FFD];
	_ =	sdelay $0x3  }
0x98: {  	_ =	strace s5  }
0x99: {  	_ =	strace $0x8FFFFFFF  }
0x9a: {  	s19 =	sld [smem:$0x3FDB];
	_ =	sdelay $0x1  }
0x9b: {  	s6 =	simm.s32 $_scs_section_size  }
0x9c: {  	s7 =	simm.s32 $_size__tile_overlayer_lowered;
	s8 =	simm.s32 $_tile_overlayer_lowered  }
0x9d: {  	s22 =	simm.s32 $0x1BFF;
	s21 =	sshll.u32 s8, $0x1;
	s5 =	sadd.s32 s6, s19  }
0x9e: {  	s9 =	simm.s32 $0x0;
	s20 =	sshll.u32 s7, $0x1;
	s7 =	sadd.s32 s21, s5  }
0x9f: {  	[timem:s9], [sflag:s22] =	dma.local [hbm:s7], s20  }
0xa0: {  	_ =	swait.ge [sflag:s22], s20  }
0xa1: {  	s6 =	ssub.s32 $0x0, s20;
	[sflag:s22] =	ssyncset.done $0x0  }
0xa2: {  	[sflag:s22] =	ssyncadd.s32 s6;
	_ =	sdelay $0x1  }
0xa3: {  	s23 =	simm.s32 $0x1B8B  }
0xa4: {  	_ =	swait.ge [sflag:s23], $0x1  }
0xa5: {  	[sflag:s23] =	ssyncset.done $0x0  }
0xa6: {  	s25 =	simm.s32 $0x1B8E;
	s24 =	sld [smem:$0x3FFE];
	[sflag:s23] =	ssyncadd.s32 $0xFFFFFFFF  }
0xa7: {  	s26 =	simm.s32 $execute0_lowered;
	[smem:$0x3FD2] =	sst s25  }
0xa8: {  	s7 =	sshll.u32 s26, $0x1;
	_ =	strace $0x80000046;
	[dreg:$0x1] =	wrdreg $0xFFFFFFFF  }
0xa9: {  	s28 =	simm.s32 $_size_execute0_lowered;
	s5 =	sadd.s32 s5, s7;
	[dreg:$0x0] =	wrdreg $0x0  }
0xaa: {  	s7 =	sshll.u32 s28, $0x1;
	[dreg:$0x2] =	wrdreg s5  }
0xab: {  	[dreg:$0x3] =	wrdreg s7  }
0xac: {  	[dreg:$0x4] =	wrdreg $0xC0  }
0xad: {  	_ =	task [dreg:s9], $0x5FFFF  }
0xae: {  	[dreg:$0x1] =	wrdreg $0xFFFFFFFF  }
0xaf: {  	[dreg:$0x0] =	wrdreg $0x60  }
0xb0: {  	[dreg:$0x2] =	wrdreg s24  }
0xb1: {  	[dreg:$0x3] =	wrdreg s2  }
0xb2: {  	[dreg:$0x4] =	wrdreg s18  }
0xb3: {  	[dreg:$0x5] =	wrdreg s4  }
0xb4: {  	[dreg:$0x6] =	wrdreg $0x9  }
0xb5: {  	_ =	task.clear_ibuf [dreg:s9], $0x7FFFF;
	_ =	strace $0x90000046  }
0xb6: {  	s29 =	simm.s32 $0x9;
	_ =	strace $0x80000048  }
0xb7: {  	_ =	swait.ge [sflag:s29], $0x1  }
0xb8: {  	[sflag:s29] =	ssyncadd.s32 $0xFFFFFFFF  }
0xb9: {  	_ =	strace $0x90000048  }
0xba: {  	_ =	sfence  }
0xbb: {  	s30 =	sld [smem:$0x0];
	_ =	sdelay $0x2  }
0xbc: {  	s31 =	sshll.u32 s1, $0xD;
	s1 =	sshrl.u32 s1, $0x2  }
0xbd: {  	s3 =	sand.u32 $0x4000, s31;
	s1 =	sadd.s32 s1, s30  }
0xbe: {  	s0 =	sor.u32 s3, s0;
	s1 =	sshll.u32 s1, $0x11  }
0xbf: {  	s0 =	sor.u32 s1, s0  }
0xc0: {  	s0 =	sadd.s32 $0x8F2B, s0  }
0xc1: {  	[sflag:s0] =	ssyncadd.remote.s32 $0x1  }
0xc2: {  	_ =	sfence.sel $0xFFFF  }
0xc3: {  	[dreg:$0x0] =	wrdreg $0xFFFFFFFF;
	(pc) =	sbr.abs _section_cstart, $3  }
0xc4: {  	[dreg:$0x1] =	wrdreg $0xFFFFFFFF  }
0xc5: {  	_ =	task.clear_ibuf [dreg:s9], $0x2FFFF;
	_ =	strace $0x9FFFFFFF  }
0xc6: {  	(tm) =	ssettm $0x7FFFFFFF  }
0xc7: {  	_ =	shalt  }
tec
execute0_lowered:
.L_overlay_start_1:
0x0: {  	(tag) =	ssettag $0x1  }
0x1: {  	s0 =	rddreg [dreg:$0x0]  }
0x2: {  	s1 =	rddreg [dreg:$0x1]  }
0x3: {  	s4 =	rddreg [dreg:$0x3]  }
0x4: {  	s2 =	srdreg.scid;
	s5 =	simm.s32 $0x0;
	s3 =	stileid.u32  }
0x5: {  	s21 =	simm.s32 $0x100;
	s22 =	simm.s32 $0x200;
	s23 =	simm.s32 $0x1  }
0x6: {  	s24 =	simm.s32 $0x64;
	s29 =	simm.s32 $0x2;
	s30 =	simm.s32 $0x6700  }
0x7: {  	s31 =	simm.s32 $0x180;
	s19 =	simm.s32 $0xCB00;
	s16 =	simm.s32 $0x5  }
0x8: {  	s17 =	simm.s32 $0x7;
	s18 =	simm.s32 $0x6;
	s10 =	simm.s32 $0x0  }
0x9: {  	s2 =	sand.u32 $0x1, s2;
	[smem:$0x7FF] =	sst s5;
	s3 =	sshll.u32 s3, $0x8  }
0xa: {  	s7 =	sadd.s32 $0x400, s0;
	s6 =	sshll.u32 s2, $0x7;
	s2 =	ssub.s32 $0x2, s2  }
0xb: {  	_ =	strace $0x80000047;
	s6 =	sor.u32 s6, s3;
	s25 =	sshrl.u32 s2, $0x1  }
0xc: {  	s3 =	sshll.u32 s6, $0x5;
	s0 =	ssub.s32 s2, s25;
	s26 =	smul.u32 $0x6400, s6  }
0xd: {  	s11 =	sor.u32 $0x3, s6;
	s12 =	sor.u32 $0x4, s6;
	s13 =	sor.u32 $0x1, s6  }
0xe: {  	s14 =	sor.u32 $0x5, s6;
	s15 =	sor.u32 $0x2, s6;
	s3 =	sadd.s32 s7, s3  }
0xf: {  	s25 =	simm.s32 $0x300;
	s0 =	smax.u32 s0, $0x1;
	[dreg:$0x5] =	wrdreg s3  }
0x10: {  	s8 =	sadd.s32 $0x20, s3;
	s2 =	sshrl.u32 s26, $0x3;
	[dreg:$0xa] =	wrdreg s0  }
0x11: {  	s3 =	sadd.s32 $0x40, s3;
	[dreg:$0x6] =	wrdreg s8;
	s2 =	sadd.s32 s4, s2  }
0x12: {  	s0 =	simm.s32 $0x9900;
	[dreg:$0x7] =	wrdreg s3;
	s28 =	sadd.s32 $0x62700, s2  }
0x13: {  	s3 =	simm.s32 $0x4;
	s2 =	sadd.s32 $0x63380, s2;
	[dreg:$0x8] =	wrdreg s28  }
0x14: {  	s8 =	simm.s32 $0x8;
	[dreg:$0x9] =	wrdreg s2;
	s2 =	simm.s32 $0x3  }
.LBB2_1:
0x15: {  	[dreg:$0xb] =	wrdreg s10  }
0x16: {  	s9 =	rddreg [dreg:$0x2];
	s20 =	simm.s32 $0x12F00;
	s26 =	simm.s32 $0xA  }
0x17: {  	[tilespmem:s20], [sflag:$0xA] =	stream.linear.gather [hbm4b:s9+s5], $0x6400, $0x38;
	[tilespmem:$0x19300] =	vst v63  }
0x18: {  	_ =	swait.ge [sflag:s26], $0x6400  }
0x19: {  	[sflag:s26] =	ssyncset.done $0x0  }
0x1a: {  	s28 =	rddreg [dreg:$0x5];
	[sflag:s26] =	ssyncadd.s32 $0xFFFF9C00  }
0x1b: {  	[tilespmem:s5], [sflag:$0x1] =	stream.linear.gather [hbm4b:s28+s5], $0x100, $0x38;
	[tilespmem:$0x19300] =	vst v63  }
0x1c: {  	s10 =	rddreg [dreg:$0x6]  }
0x1d: {  	[tilespmem:s21], [sflag:$0x2] =	stream.linear.gather [hbm4b:s10+s5], $0x100, $0x38;
	[tilespmem:$0x19300] =	vst v63  }
0x1e: {  	s20 =	rddreg [dreg:$0x7]  }
0x1f: {  	[tilespmem:s22], [sflag:$0x3] =	stream.linear.gather [hbm4b:s20+s5], $0x100, $0x38;
	[tilespmem:$0x19300] =	vst v63  }
0x20: {  	_ =	swait.ge [sflag:s23], $0x100  }
0x21: {  	[sflag:s23] =	ssyncset.done $0x0  }
0x22: {  	[sflag:s23] =	ssyncadd.s32 $0xFFFFFF00  }
0x23: {  	[tilespmem:s25], [sflag:$0x4] =	stream.indirect.gather [hbm4b:s1+s24], $0x80, s5, s24, $0xb8;
	[tilespmem:$0x19300] =	vst v63  }
0x24: {  	s26 =	simm.s32 $0x80;
	s28 =	simm.s32 $0x3500  }
0x25: {  	[tilespmem:s28], [sflag:$0x4] =	stream.indirect.gather [hbm4b:s1+s24], $0x80, s26, s24, $0xb8;
	[tilespmem:$0x19300] =	vst v63  }
0x26: {  	_ =	swait.ge [sflag:s29], $0x100  }
0x27: {  	[sflag:s29] =	ssyncset.done $0x0  }
0x28: {  	[sflag:s29] =	ssyncadd.s32 $0xFFFFFF00  }
0x29: {  	[tilespmem:s30], [sflag:$0x5] =	stream.indirect.gather [hbm4b:s1+s24], $0x80, s21, s24, $0xb8;
	[tilespmem:$0x19300] =	vst v63  }
0x2a: {  	s20 =	simm.s32 $0x0  }
0x2b: {  	[tilespmem:s0], [sflag:$0x5] =	stream.indirect.gather [hbm4b:s1+s24], $0x80, s31, s24, $0xb8;
	[tilespmem:$0x19300] =	vst v63  }
.LBB2_2:
0x2c: {  	_ =	swait.ge [sflag:s3], $0x3200  }
0x2d: {  	s9 =	smul.u32 $0x3, s20;
	[sflag:s3] =	ssyncset.done $0x0  }
0x2e: {  	[sflag:s3] =	ssyncadd.s32 $0xFFFFCE00  }
0x2f: {  	s10 =	sadd.s32 s9, s11;
	_ =	swait.ge [sflag:s3], $0x3200  }
0x30: {  	s10 =	sshll.u32 s10, $0x5;
	[sflag:s3] =	ssyncset.done $0x0  }
0x31: {  	s26 =	simm.s32 $0x0;
	s10 =	sadd.s32 s7, s10;
	[sflag:s3] =	ssyncadd.s32 $0xFFFFCE00  }
0x32: {  	[tilespmem:s26], [sflag:$0x1] =	stream.linear.gather [hbm4b:s10+s26], $0x100, $0x38;
	[tilespmem:$0x19300] =	vst v63  }
0x33: {  	s10 =	simm.s32 $0x0  }
0x34: {  	v0 =	vld [tilespmem:s10+$0x12FF0]  }
0x35: {  	v1 =	vld [tilespmem:s10+$0x12F00]  }
0x36: {  	v2 =	vld [tilespmem:s10+$0x12F10]  }
0x37: {  	v3 =	vld [tilespmem:s10+$0x12F20]  }
0x38: {  	v4 =	vld [tilespmem:s10+$0x12F30]  }
0x39: {  	v5 =	vld [tilespmem:s10+$0x12F40]  }
0x3a: {  	v6 =	vld [tilespmem:s10+$0x12F50]  }
0x3b: {  	v7 =	vld [tilespmem:s10+$0x12F60]  }
0x3c: {  	v8 =	vld [tilespmem:s10+$0x12F70]  }
0x3d: {  	v9 =	vld [tilespmem:s10+$0x12F80]  }
0x3e: {  	v10 =	vld [tilespmem:s10+$0x12F90]  }
0x3f: {  	v11 =	vld [tilespmem:s10+$0x12FA0]  }
0x40: {  	v12 =	vld [tilespmem:s10+$0x12FB0]  }
0x41: {  	v13 =	vld [tilespmem:s10+$0x12FC0]  }
0x42: {  	v14 =	vld [tilespmem:s10+$0x12FD0]  }
0x43: {  	[tilespmem:s10+$0x3F0] =	vst.add.f32.msk $0xffff, v0  }
0x44: {  	v0 =	vld [tilespmem:s10+$0x12FE0]  }
0x45: {  	[tilespmem:s10+$0x300] =	vst.add.f32.msk $0xffff, v1  }
0x46: {  	[tilespmem:s10+$0x310] =	vst.add.f32.msk $0xffff, v2  }
0x47: {  	[tilespmem:s10+$0x320] =	vst.add.f32.msk $0xffff, v3  }
0x48: {  	[tilespmem:s10+$0x330] =	vst.add.f32.msk $0xffff, v4  }
0x49: {  	[tilespmem:s10+$0x340] =	vst.add.f32.msk $0xffff, v5  }
0x4a: {  	[tilespmem:s10+$0x350] =	vst.add.f32.msk $0xffff, v6  }
0x4b: {  	[tilespmem:s10+$0x360] =	vst.add.f32.msk $0xffff, v7  }
0x4c: {  	[tilespmem:s10+$0x370] =	vst.add.f32.msk $0xffff, v8  }
0x4d: {  	[tilespmem:s10+$0x380] =	vst.add.f32.msk $0xffff, v9  }
0x4e: {  	[tilespmem:s10+$0x390] =	vst.add.f32.msk $0xffff, v10  }
0x4f: {  	[tilespmem:s10+$0x3A0] =	vst.add.f32.msk $0xffff, v11  }
0x50: {  	[tilespmem:s10+$0x3B0] =	vst.add.f32.msk $0xffff, v12  }
0x51: {  	[tilespmem:s10+$0x3C0] =	vst.add.f32.msk $0xffff, v13  }
0x52: {  	s28 =	simm.s32 $0x400;
	s26 =	simm.s32 $0x0;
	[tilespmem:s10+$0x3D0] =	vst.add.f32.msk $0xffff, v14  }
.LBB2_3:
0x53: {  	s26 =	sadd.s32 $0x2, s26;
	[tilespmem:s10+$0x3E0] =	vst.add.f32.msk $0xffff, v0;
	s10 =	sshra.s32 s28, $0x2  }
0x54: {  	v0 =	vld [tilespmem:s10+$0x12FF0];
	p0 =	slt.u32 s26, $0xC6  }
0x55: {  	v1 =	vld [tilespmem:s10+$0x12F00]  }
0x56: {  	v2 =	vld [tilespmem:s10+$0x12F10]  }
0x57: {  	v3 =	vld [tilespmem:s10+$0x12F20]  }
0x58: {  	v4 =	vld [tilespmem:s10+$0x12F30]  }
0x59: {  	[tilespmem:s10+$0x3F0] =	vst.add.f32.msk $0xffff, v0  }
0x5a: {  	v5 =	vld [tilespmem:s10+$0x12F40]  }
0x5b: {  	v6 =	vld [tilespmem:s10+$0x12F50]  }
0x5c: {  	v7 =	vld [tilespmem:s10+$0x12F60]  }
0x5d: {  	v8 =	vld [tilespmem:s10+$0x12F70]  }
0x5e: {  	v9 =	vld [tilespmem:s10+$0x12F80]  }
0x5f: {  	v10 =	vld [tilespmem:s10+$0x12F90]  }
0x60: {  	v11 =	vld [tilespmem:s10+$0x12FA0]  }
0x61: {  	v12 =	vld [tilespmem:s10+$0x12FB0]  }
0x62: {  	v13 =	vld [tilespmem:s10+$0x12FC0]  }
0x63: {  	v14 =	vld [tilespmem:s10+$0x12FD0]  }
0x64: {  	v0 =	vld [tilespmem:s10+$0x12FE0]  }
0x65: {  	[tilespmem:s10+$0x300] =	vst.add.f32.msk $0xffff, v1  }
0x66: {  	[tilespmem:s10+$0x310] =	vst.add.f32.msk $0xffff, v2  }
0x67: {  	[tilespmem:s10+$0x320] =	vst.add.f32.msk $0xffff, v3  }
0x68: {  	[tilespmem:s10+$0x330] =	vst.add.f32.msk $0xffff, v4  }
0x69: {  	[tilespmem:s10+$0x340] =	vst.add.f32.msk $0xffff, v5  }
0x6a: {  	[tilespmem:s10+$0x350] =	vst.add.f32.msk $0xffff, v6  }
0x6b: {  	[tilespmem:s10+$0x360] =	vst.add.f32.msk $0xffff, v7  }
0x6c: {  	[tilespmem:s10+$0x370] =	vst.add.f32.msk $0xffff, v8  }
0x6d: {  	[tilespmem:s10+$0x380] =	vst.add.f32.msk $0xffff, v9  }
.Ltmp0:
0x6e: {  	[tilespmem:s10+$0x390] =	vst.add.f32.msk $0xffff, v10;
	(pc) =	sbr.rel @p0 .LBB2_3-.Ltmp0, $4  }
0x6f: {  	[tilespmem:s10+$0x3A0] =	vst.add.f32.msk $0xffff, v11  }
0x70: {  	[tilespmem:s10+$0x3B0] =	vst.add.f32.msk $0xffff, v12  }
0x71: {  	[tilespmem:s10+$0x3C0] =	vst.add.f32.msk $0xffff, v13  }
0x72: {  	s28 =	sadd.s32 $0x400, s28;
	[tilespmem:s10+$0x3D0] =	vst.add.f32.msk $0xffff, v14  }
0x73: {  	s26 =	sadd.s32 s6, s9  }
0x74: {  	s26 =	smul.u32 $0xC80, s26;
	_ =	sdelay $0x1  }
0x75: {  	[tilespmem:s10+$0x3E0] =	vst.add.f32.msk $0xffff, v0;
	s26 =	sadd.s32 s4, s26  }
0x76: {  	[hbm4b:s26+s5] =	stream.linear.scatter [tilespmem:s25], [sflag:$0x7], $0x6400, $0x38;
	[tilespmem:$0x19300] =	vst v63  }
0x77: {  	_ =	swait.ge [sflag:s2], $0x100  }
0x78: {  	p0 =	seq.s32 s20, $0x0;
	[sflag:s2] =	ssyncset.done $0x0  }
0x79: {  	s10 =	simm.s32 @!p0 $0x9;
	[sflag:s2] =	ssyncadd.s32 $0xFFFFFF00  }
0x7a: {  	_ =	swait.ge @!p0 [sflag:s10], $0x6400  }
0x7b: {  	[sflag:s10] =	ssyncset.done @!p0 $0x0  }
0x7c: {  	[sflag:s10] =	ssyncadd.s32 @!p0 $0xFFFF9C00  }
0x7d: {  	[tilespmem:s19], [sflag:$0x6] =	stream.indirect.gather [hbm4b:s1+s24], $0x80, s22, s24, $0xb8;
	[tilespmem:$0x19300] =	vst v63  }
0x7e: {  	s26 =	simm.s32 $0xFD00;
	s10 =	simm.s32 $0x280  }
0x7f: {  	[tilespmem:s26], [sflag:$0x6] =	stream.indirect.gather [hbm4b:s1+s24], $0x80, s10, s24, $0xb8;
	[tilespmem:$0x19300] =	vst v63  }
0x80: {  	_ =	swait.ge [sflag:s16], $0x3200  }
0x81: {  	[sflag:s16] =	ssyncset.done $0x0  }
0x82: {  	[sflag:s16] =	ssyncadd.s32 $0xFFFFCE00  }
0x83: {  	s26 =	sadd.s32 s9, s12;
	_ =	swait.ge [sflag:s16], $0x3200  }
0x84: {  	s10 =	sshll.u32 s26, $0x5;
	[sflag:s16] =	ssyncset.done $0x0  }
0x85: {  	s26 =	simm.s32 $0x0;
	s10 =	sadd.s32 s7, s10;
	[sflag:s16] =	ssyncadd.s32 $0xFFFFCE00  }
0x86: {  	[tilespmem:s21], [sflag:$0x2] =	stream.linear.gather [hbm4b:s10+s26], $0x100, $0x38;
	[tilespmem:$0x19300] =	vst v63  }
0x87: {  	s10 =	simm.s32 $0x0  }
0x88: {  	v0 =	vld [tilespmem:s10+$0x12FF0]  }
0x89: {  	v1 =	vld [tilespmem:s10+$0x12F00]  }
0x8a: {  	v2 =	vld [tilespmem:s10+$0x12F10]  }
0x8b: {  	v3 =	vld [tilespmem:s10+$0x12F20]  }
0x8c: {  	v4 =	vld [tilespmem:s10+$0x12F30]  }
0x8d: {  	v5 =	vld [tilespmem:s10+$0x12F40]  }
0x8e: {  	v6 =	vld [tilespmem:s10+$0x12F50]  }
0x8f: {  	v7 =	vld [tilespmem:s10+$0x12F60]  }
0x90: {  	v8 =	vld [tilespmem:s10+$0x12F70]  }
0x91: {  	v9 =	vld [tilespmem:s10+$0x12F80]  }
0x92: {  	v10 =	vld [tilespmem:s10+$0x12F90]  }
0x93: {  	v11 =	vld [tilespmem:s10+$0x12FA0]  }
0x94: {  	v12 =	vld [tilespmem:s10+$0x12FB0]  }
0x95: {  	v13 =	vld [tilespmem:s10+$0x12FC0]  }
0x96: {  	v14 =	vld [tilespmem:s10+$0x12FD0]  }
0x97: {  	[tilespmem:s10+$0x67F0] =	vst.add.f32.msk $0xffff, v0  }
0x98: {  	v0 =	vld [tilespmem:s10+$0x12FE0]  }
0x99: {  	[tilespmem:s10+$0x6700] =	vst.add.f32.msk $0xffff, v1  }
0x9a: {  	[tilespmem:s10+$0x6710] =	vst.add.f32.msk $0xffff, v2  }
0x9b: {  	[tilespmem:s10+$0x6720] =	vst.add.f32.msk $0xffff, v3  }
0x9c: {  	[tilespmem:s10+$0x6730] =	vst.add.f32.msk $0xffff, v4  }
0x9d: {  	[tilespmem:s10+$0x6740] =	vst.add.f32.msk $0xffff, v5  }
0x9e: {  	[tilespmem:s10+$0x6750] =	vst.add.f32.msk $0xffff, v6  }
0x9f: {  	[tilespmem:s10+$0x6760] =	vst.add.f32.msk $0xffff, v7  }
0xa0: {  	[tilespmem:s10+$0x6770] =	vst.add.f32.msk $0xffff, v8  }
0xa1: {  	[tilespmem:s10+$0x6780] =	vst.add.f32.msk $0xffff, v9  }
0xa2: {  	[tilespmem:s10+$0x6790] =	vst.add.f32.msk $0xffff, v10  }
0xa3: {  	[tilespmem:s10+$0x67A0] =	vst.add.f32.msk $0xffff, v11  }
0xa4: {  	[tilespmem:s10+$0x67B0] =	vst.add.f32.msk $0xffff, v12  }
0xa5: {  	[tilespmem:s10+$0x67C0] =	vst.add.f32.msk $0xffff, v13  }
0xa6: {  	s28 =	simm.s32 $0x400;
	s26 =	simm.s32 $0x0;
	[tilespmem:s10+$0x67D0] =	vst.add.f32.msk $0xffff, v14  }
.LBB2_5:
0xa7: {  	s26 =	sadd.s32 $0x2, s26;
	[tilespmem:s10+$0x67E0] =	vst.add.f32.msk $0xffff, v0;
	s10 =	sshra.s32 s28, $0x2  }
0xa8: {  	v0 =	vld [tilespmem:s10+$0x12FF0];
	p0 =	slt.u32 s26, $0xC6  }
0xa9: {  	v1 =	vld [tilespmem:s10+$0x12F00]  }
0xaa: {  	v2 =	vld [tilespmem:s10+$0x12F10]  }
0xab: {  	v3 =	vld [tilespmem:s10+$0x12F20]  }
0xac: {  	v4 =	vld [tilespmem:s10+$0x12F30]  }
0xad: {  	[tilespmem:s10+$0x67F0] =	vst.add.f32.msk $0xffff, v0  }
0xae: {  	v5 =	vld [tilespmem:s10+$0x12F40]  }
0xaf: {  	v6 =	vld [tilespmem:s10+$0x12F50]  }
0xb0: {  	v7 =	vld [tilespmem:s10+$0x12F60]  }
0xb1: {  	v8 =	vld [tilespmem:s10+$0x12F70]  }
0xb2: {  	v9 =	vld [tilespmem:s10+$0x12F80]  }
0xb3: {  	v10 =	vld [tilespmem:s10+$0x12F90]  }
0xb4: {  	v11 =	vld [tilespmem:s10+$0x12FA0]  }
0xb5: {  	v12 =	vld [tilespmem:s10+$0x12FB0]  }
0xb6: {  	v13 =	vld [tilespmem:s10+$0x12FC0]  }
0xb7: {  	v14 =	vld [tilespmem:s10+$0x12FD0]  }
0xb8: {  	v0 =	vld [tilespmem:s10+$0x12FE0]  }
0xb9: {  	[tilespmem:s10+$0x6700] =	vst.add.f32.msk $0xffff, v1  }
0xba: {  	[tilespmem:s10+$0x6710] =	vst.add.f32.msk $0xffff, v2  }
0xbb: {  	[tilespmem:s10+$0x6720] =	vst.add.f32.msk $0xffff, v3  }
0xbc: {  	[tilespmem:s10+$0x6730] =	vst.add.f32.msk $0xffff, v4  }
0xbd: {  	[tilespmem:s10+$0x6740] =	vst.add.f32.msk $0xffff, v5  }
0xbe: {  	[tilespmem:s10+$0x6750] =	vst.add.f32.msk $0xffff, v6  }
0xbf: {  	[tilespmem:s10+$0x6760] =	vst.add.f32.msk $0xffff, v7  }
0xc0: {  	[tilespmem:s10+$0x6770] =	vst.add.f32.msk $0xffff, v8  }
0xc1: {  	[tilespmem:s10+$0x6780] =	vst.add.f32.msk $0xffff, v9  }
.Ltmp1:
0xc2: {  	[tilespmem:s10+$0x6790] =	vst.add.f32.msk $0xffff, v10;
	(pc) =	sbr.rel @p0 .LBB2_5-.Ltmp1, $4  }
0xc3: {  	[tilespmem:s10+$0x67A0] =	vst.add.f32.msk $0xffff, v11  }
0xc4: {  	[tilespmem:s10+$0x67B0] =	vst.add.f32.msk $0xffff, v12  }
0xc5: {  	[tilespmem:s10+$0x67C0] =	vst.add.f32.msk $0xffff, v13  }
0xc6: {  	s28 =	sadd.s32 $0x400, s28;
	[tilespmem:s10+$0x67D0] =	vst.add.f32.msk $0xffff, v14  }
0xc7: {  	s26 =	sadd.s32 s9, s13  }
0xc8: {  	s26 =	smul.u32 $0xC80, s26;
	_ =	sdelay $0x1  }
0xc9: {  	[tilespmem:s10+$0x67E0] =	vst.add.f32.msk $0xffff, v0;
	s10 =	sadd.s32 s4, s26;
	s26 =	simm.s32 $0x0  }
0xca: {  	[hbm4b:s10+s26] =	stream.linear.scatter [tilespmem:s30], [sflag:$0x8], $0x6400, $0x38;
	[tilespmem:$0x19300] =	vst v63  }
0xcb: {  	_ =	swait.ge [sflag:s23], $0x100  }
0xcc: {  	[sflag:s23] =	ssyncset.done $0x0  }
0xcd: {  	[sflag:s23] =	ssyncadd.s32 $0xFFFFFF00  }
0xce: {  	_ =	swait.ge [sflag:s17], $0x6400  }
0xcf: {  	[sflag:s17] =	ssyncset.done $0x0  }
0xd0: {  	[sflag:s17] =	ssyncadd.s32 $0xFFFF9C00  }
0xd1: {  	[tilespmem:s25], [sflag:$0x4] =	stream.indirect.gather [hbm4b:s1+s24], $0x80, s26, s24, $0xb8;
	[tilespmem:$0x19300] =	vst v63  }
0xd2: {  	s28 =	simm.s32 $0x3500;
	s10 =	simm.s32 $0x80  }
0xd3: {  	[tilespmem:s28], [sflag:$0x4] =	stream.indirect.gather [hbm4b:s1+s24], $0x80, s10, s24, $0xb8;
	[tilespmem:$0x19300] =	vst v63  }
0xd4: {  	_ =	swait.ge [sflag:s18], $0x3200  }
0xd5: {  	s10 =	sadd.s32 s9, s14;
	[sflag:s18] =	ssyncset.done $0x0  }
0xd6: {  	p0 =	slt.s32 s10, $0xFFF;
	[sflag:s18] =	ssyncadd.s32 $0xFFFFCE00  }
0xd7: {  	s10 =	simm.s32 @!p0 $0xFFF;
	_ =	swait.ge [sflag:s18], $0x3200  }
0xd8: {  	s10 =	sshll.u32 s10, $0x5;
	[sflag:s18] =	ssyncset.done $0x0  }
0xd9: {  	s10 =	sadd.s32 s7, s10;
	[sflag:s18] =	ssyncadd.s32 $0xFFFFCE00  }
0xda: {  	[tilespmem:s22], [sflag:$0x3] =	stream.linear.gather [hbm4b:s10+s26], $0x100, $0x38;
	[tilespmem:$0x19300] =	vst v63  }
0xdb: {  	s10 =	simm.s32 $0x0  }
0xdc: {  	v0 =	vld [tilespmem:s10+$0x12FF0]  }
0xdd: {  	v1 =	vld [tilespmem:s10+$0x12F00]  }
0xde: {  	v2 =	vld [tilespmem:s10+$0x12F10]  }
0xdf: {  	v3 =	vld [tilespmem:s10+$0x12F20]  }
0xe0: {  	v4 =	vld [tilespmem:s10+$0x12F30]  }
0xe1: {  	v5 =	vld [tilespmem:s10+$0x12F40]  }
0xe2: {  	v6 =	vld [tilespmem:s10+$0x12F50]  }
0xe3: {  	v7 =	vld [tilespmem:s10+$0x12F60]  }
0xe4: {  	v8 =	vld [tilespmem:s10+$0x12F70]  }
0xe5: {  	v9 =	vld [tilespmem:s10+$0x12F80]  }
0xe6: {  	v10 =	vld [tilespmem:s10+$0x12F90]  }
0xe7: {  	v11 =	vld [tilespmem:s10+$0x12FA0]  }
0xe8: {  	v12 =	vld [tilespmem:s10+$0x12FB0]  }
0xe9: {  	v13 =	vld [tilespmem:s10+$0x12FC0]  }
0xea: {  	v14 =	vld [tilespmem:s10+$0x12FD0]  }
0xeb: {  	[tilespmem:s10+$0xCBF0] =	vst.add.f32.msk $0xffff, v0  }
0xec: {  	v0 =	vld [tilespmem:s10+$0x12FE0]  }
0xed: {  	[tilespmem:s10+$0xCB00] =	vst.add.f32.msk $0xffff, v1  }
0xee: {  	[tilespmem:s10+$0xCB10] =	vst.add.f32.msk $0xffff, v2  }
0xef: {  	[tilespmem:s10+$0xCB20] =	vst.add.f32.msk $0xffff, v3  }
0xf0: {  	[tilespmem:s10+$0xCB30] =	vst.add.f32.msk $0xffff, v4  }
0xf1: {  	[tilespmem:s10+$0xCB40] =	vst.add.f32.msk $0xffff, v5  }
0xf2: {  	[tilespmem:s10+$0xCB50] =	vst.add.f32.msk $0xffff, v6  }
0xf3: {  	[tilespmem:s10+$0xCB60] =	vst.add.f32.msk $0xffff, v7  }
0xf4: {  	[tilespmem:s10+$0xCB70] =	vst.add.f32.msk $0xffff, v8  }
0xf5: {  	[tilespmem:s10+$0xCB80] =	vst.add.f32.msk $0xffff, v9  }
0xf6: {  	[tilespmem:s10+$0xCB90] =	vst.add.f32.msk $0xffff, v10  }
0xf7: {  	[tilespmem:s10+$0xCBA0] =	vst.add.f32.msk $0xffff, v11  }
0xf8: {  	[tilespmem:s10+$0xCBB0] =	vst.add.f32.msk $0xffff, v12  }
0xf9: {  	[tilespmem:s10+$0xCBC0] =	vst.add.f32.msk $0xffff, v13  }
0xfa: {  	s28 =	simm.s32 $0x400;
	s26 =	simm.s32 $0x0;
	[tilespmem:s10+$0xCBD0] =	vst.add.f32.msk $0xffff, v14  }
.LBB2_7:
0xfb: {  	s26 =	sadd.s32 $0x2, s26;
	[tilespmem:s10+$0xCBE0] =	vst.add.f32.msk $0xffff, v0;
	s10 =	sshra.s32 s28, $0x2  }
0xfc: {  	v0 =	vld [tilespmem:s10+$0x12FF0];
	p0 =	slt.u32 s26, $0xC6  }
0xfd: {  	v1 =	vld [tilespmem:s10+$0x12F00]  }
0xfe: {  	v2 =	vld [tilespmem:s10+$0x12F10]  }
0xff: {  	v3 =	vld [tilespmem:s10+$0x12F20]  }
0x100: {  	v4 =	vld [tilespmem:s10+$0x12F30]  }
0x101: {  	[tilespmem:s10+$0xCBF0] =	vst.add.f32.msk $0xffff, v0  }
0x102: {  	v5 =	vld [tilespmem:s10+$0x12F40]  }
0x103: {  	v6 =	vld [tilespmem:s10+$0x12F50]  }
0x104: {  	v7 =	vld [tilespmem:s10+$0x12F60]  }
0x105: {  	v8 =	vld [tilespmem:s10+$0x12F70]  }
0x106: {  	v9 =	vld [tilespmem:s10+$0x12F80]  }
0x107: {  	v10 =	vld [tilespmem:s10+$0x12F90]  }
0x108: {  	v11 =	vld [tilespmem:s10+$0x12FA0]  }
0x109: {  	v12 =	vld [tilespmem:s10+$0x12FB0]  }
0x10a: {  	v13 =	vld [tilespmem:s10+$0x12FC0]  }
0x10b: {  	v14 =	vld [tilespmem:s10+$0x12FD0]  }
0x10c: {  	v0 =	vld [tilespmem:s10+$0x12FE0]  }
0x10d: {  	[tilespmem:s10+$0xCB00] =	vst.add.f32.msk $0xffff, v1  }
0x10e: {  	[tilespmem:s10+$0xCB10] =	vst.add.f32.msk $0xffff, v2  }
0x10f: {  	[tilespmem:s10+$0xCB20] =	vst.add.f32.msk $0xffff, v3  }
0x110: {  	[tilespmem:s10+$0xCB30] =	vst.add.f32.msk $0xffff, v4  }
0x111: {  	[tilespmem:s10+$0xCB40] =	vst.add.f32.msk $0xffff, v5  }
0x112: {  	[tilespmem:s10+$0xCB50] =	vst.add.f32.msk $0xffff, v6  }
0x113: {  	[tilespmem:s10+$0xCB60] =	vst.add.f32.msk $0xffff, v7  }
0x114: {  	[tilespmem:s10+$0xCB70] =	vst.add.f32.msk $0xffff, v8  }
0x115: {  	[tilespmem:s10+$0xCB80] =	vst.add.f32.msk $0xffff, v9  }
.Ltmp2:
0x116: {  	[tilespmem:s10+$0xCB90] =	vst.add.f32.msk $0xffff, v10;
	(pc) =	sbr.rel @p0 .LBB2_7-.Ltmp2, $4  }
0x117: {  	[tilespmem:s10+$0xCBA0] =	vst.add.f32.msk $0xffff, v11  }
0x118: {  	[tilespmem:s10+$0xCBB0] =	vst.add.f32.msk $0xffff, v12  }
0x119: {  	[tilespmem:s10+$0xCBC0] =	vst.add.f32.msk $0xffff, v13  }
0x11a: {  	s28 =	sadd.s32 $0x400, s28;
	[tilespmem:s10+$0xCBD0] =	vst.add.f32.msk $0xffff, v14  }
0x11b: {  	s9 =	sadd.s32 s9, s15  }
0x11c: {  	s9 =	smul.u32 $0xC80, s9;
	_ =	sdelay $0x1  }
0x11d: {  	[tilespmem:s10+$0xCBE0] =	vst.add.f32.msk $0xffff, v0;
	s9 =	sadd.s32 s4, s9  }
0x11e: {  	[hbm4b:s9+s5] =	stream.linear.scatter [tilespmem:s19], [sflag:$0x9], $0x6400, $0x38;
	[tilespmem:$0x19300] =	vst v63  }
0x11f: {  	_ =	swait.ge [sflag:s29], $0x100  }
0x120: {  	[sflag:s29] =	ssyncset.done $0x0  }
0x121: {  	s20 =	sadd.s32 $0x1, s20;
	[sflag:s29] =	ssyncadd.s32 $0xFFFFFF00  }
0x122: {  	p0 =	sne.s32 s20, $0x2A;
	_ =	swait.ge [sflag:s8], $0x6400  }
.Ltmp3:
0x123: {  	[sflag:s8] =	ssyncset.done $0x0;
	(pc) =	sbr.rel @p0 .LBB2_2-.Ltmp3, $4  }
0x124: {  	[sflag:s8] =	ssyncadd.s32 $0xFFFF9C00  }
0x125: {  	[tilespmem:s30], [sflag:$0x5] =	stream.indirect.gather [hbm4b:s1+s24], $0x80, s21, s24, $0xb8;
	[tilespmem:$0x19300] =	vst v63  }
0x126: {  	_ = 	snop  }
0x127: {  	[tilespmem:s0], [sflag:$0x5] =	stream.indirect.gather [hbm4b:s1+s24], $0x80, s31, s24, $0xb8;
	[tilespmem:$0x19300] =	vst v63  }
0x128: {  	_ =	swait.ge [sflag:s3], $0x3200  }
0x129: {  	[sflag:s3] =	ssyncset.done $0x0  }
0x12a: {  	[sflag:s3] =	ssyncadd.s32 $0xFFFFCE00  }
0x12b: {  	_ =	swait.ge [sflag:s3], $0x3200  }
0x12c: {  	[sflag:s3] =	ssyncset.done $0x0  }
0x12d: {  	s9 =	simm.s32 $0x0;
	[sflag:s3] =	ssyncadd.s32 $0xFFFFCE00  }
0x12e: {  	v0 =	vld [tilespmem:s9+$0x12FF0]  }
0x12f: {  	v1 =	vld [tilespmem:s9+$0x12F00]  }
0x130: {  	v2 =	vld [tilespmem:s9+$0x12F10]  }
0x131: {  	v3 =	vld [tilespmem:s9+$0x12F20]  }
0x132: {  	v4 =	vld [tilespmem:s9+$0x12F30]  }
0x133: {  	v5 =	vld [tilespmem:s9+$0x12F40]  }
0x134: {  	v6 =	vld [tilespmem:s9+$0x12F50]  }
0x135: {  	v7 =	vld [tilespmem:s9+$0x12F60]  }
0x136: {  	v8 =	vld [tilespmem:s9+$0x12F70]  }
0x137: {  	v9 =	vld [tilespmem:s9+$0x12F80]  }
0x138: {  	v10 =	vld [tilespmem:s9+$0x12F90]  }
0x139: {  	v11 =	vld [tilespmem:s9+$0x12FA0]  }
0x13a: {  	v12 =	vld [tilespmem:s9+$0x12FB0]  }
0x13b: {  	v13 =	vld [tilespmem:s9+$0x12FC0]  }
0x13c: {  	v14 =	vld [tilespmem:s9+$0x12FD0]  }
0x13d: {  	[tilespmem:s9+$0x3F0] =	vst.add.f32.msk $0xffff, v0  }
0x13e: {  	v0 =	vld [tilespmem:s9+$0x12FE0]  }
0x13f: {  	[tilespmem:s9+$0x300] =	vst.add.f32.msk $0xffff, v1  }
0x140: {  	[tilespmem:s9+$0x310] =	vst.add.f32.msk $0xffff, v2  }
0x141: {  	[tilespmem:s9+$0x320] =	vst.add.f32.msk $0xffff, v3  }
0x142: {  	[tilespmem:s9+$0x330] =	vst.add.f32.msk $0xffff, v4  }
0x143: {  	[tilespmem:s9+$0x340] =	vst.add.f32.msk $0xffff, v5  }
0x144: {  	[tilespmem:s9+$0x350] =	vst.add.f32.msk $0xffff, v6  }
0x145: {  	[tilespmem:s9+$0x360] =	vst.add.f32.msk $0xffff, v7  }
0x146: {  	[tilespmem:s9+$0x370] =	vst.add.f32.msk $0xffff, v8  }
0x147: {  	[tilespmem:s9+$0x380] =	vst.add.f32.msk $0xffff, v9  }
0x148: {  	[tilespmem:s9+$0x390] =	vst.add.f32.msk $0xffff, v10  }
0x149: {  	[tilespmem:s9+$0x3A0] =	vst.add.f32.msk $0xffff, v11  }
0x14a: {  	[tilespmem:s9+$0x3B0] =	vst.add.f32.msk $0xffff, v12  }
0x14b: {  	[tilespmem:s9+$0x3C0] =	vst.add.f32.msk $0xffff, v13  }
0x14c: {  	s10 =	simm.s32 $0x0;
	s20 =	simm.s32 $0x400;
	[tilespmem:s9+$0x3D0] =	vst.add.f32.msk $0xffff, v14  }
.LBB2_10:
0x14d: {  	s10 =	sadd.s32 $0x2, s10;
	[tilespmem:s9+$0x3E0] =	vst.add.f32.msk $0xffff, v0;
	s9 =	sshra.s32 s20, $0x2  }
0x14e: {  	v0 =	vld [tilespmem:s9+$0x12FF0];
	p0 =	slt.u32 s10, $0xC6  }
0x14f: {  	v1 =	vld [tilespmem:s9+$0x12F00]  }
0x150: {  	v2 =	vld [tilespmem:s9+$0x12F10]  }
0x151: {  	v3 =	vld [tilespmem:s9+$0x12F20]  }
0x152: {  	v4 =	vld [tilespmem:s9+$0x12F30]  }
0x153: {  	[tilespmem:s9+$0x3F0] =	vst.add.f32.msk $0xffff, v0  }
0x154: {  	v5 =	vld [tilespmem:s9+$0x12F40]  }
0x155: {  	v6 =	vld [tilespmem:s9+$0x12F50]  }
0x156: {  	v7 =	vld [tilespmem:s9+$0x12F60]  }
0x157: {  	v8 =	vld [tilespmem:s9+$0x12F70]  }
0x158: {  	v9 =	vld [tilespmem:s9+$0x12F80]  }
0x159: {  	v10 =	vld [tilespmem:s9+$0x12F90]  }
0x15a: {  	v11 =	vld [tilespmem:s9+$0x12FA0]  }
0x15b: {  	v12 =	vld [tilespmem:s9+$0x12FB0]  }
0x15c: {  	v13 =	vld [tilespmem:s9+$0x12FC0]  }
0x15d: {  	v14 =	vld [tilespmem:s9+$0x12FD0]  }
0x15e: {  	v0 =	vld [tilespmem:s9+$0x12FE0]  }
0x15f: {  	[tilespmem:s9+$0x300] =	vst.add.f32.msk $0xffff, v1  }
0x160: {  	[tilespmem:s9+$0x310] =	vst.add.f32.msk $0xffff, v2  }
0x161: {  	[tilespmem:s9+$0x320] =	vst.add.f32.msk $0xffff, v3  }
0x162: {  	[tilespmem:s9+$0x330] =	vst.add.f32.msk $0xffff, v4  }
0x163: {  	[tilespmem:s9+$0x340] =	vst.add.f32.msk $0xffff, v5  }
0x164: {  	[tilespmem:s9+$0x350] =	vst.add.f32.msk $0xffff, v6  }
0x165: {  	[tilespmem:s9+$0x360] =	vst.add.f32.msk $0xffff, v7  }
0x166: {  	[tilespmem:s9+$0x370] =	vst.add.f32.msk $0xffff, v8  }
0x167: {  	[tilespmem:s9+$0x380] =	vst.add.f32.msk $0xffff, v9  }
.Ltmp4:
0x168: {  	[tilespmem:s9+$0x390] =	vst.add.f32.msk $0xffff, v10;
	(pc) =	sbr.rel @p0 .LBB2_10-.Ltmp4, $4  }
0x169: {  	[tilespmem:s9+$0x3A0] =	vst.add.f32.msk $0xffff, v11  }
0x16a: {  	[tilespmem:s9+$0x3B0] =	vst.add.f32.msk $0xffff, v12  }
0x16b: {  	[tilespmem:s9+$0x3C0] =	vst.add.f32.msk $0xffff, v13  }
0x16c: {  	s20 =	sadd.s32 $0x400, s20;
	[tilespmem:s9+$0x3D0] =	vst.add.f32.msk $0xffff, v14  }
0x16d: {  	[tilespmem:s9+$0x3E0] =	vst.add.f32.msk $0xffff, v0;
	s28 =	simm.s32 $0x0;
	s10 =	rddreg [dreg:$0x8]  }
0x16e: {  	[hbm4b:s10+s28] =	stream.linear.scatter [tilespmem:s25], [sflag:$0x7], $0x6400, $0x38;
	[tilespmem:$0x19300] =	vst v63  }
0x16f: {  	_ =	swait.ge [sflag:s16], $0x3200  }
0x170: {  	[sflag:s16] =	ssyncset.done $0x0  }
0x171: {  	[sflag:s16] =	ssyncadd.s32 $0xFFFFCE00  }
0x172: {  	_ =	swait.ge [sflag:s16], $0x3200  }
0x173: {  	[sflag:s16] =	ssyncset.done $0x0  }
0x174: {  	s9 =	simm.s32 $0x0;
	[sflag:s16] =	ssyncadd.s32 $0xFFFFCE00  }
0x175: {  	v0 =	vld [tilespmem:s9+$0x12FF0]  }
0x176: {  	v1 =	vld [tilespmem:s9+$0x12F00]  }
0x177: {  	v2 =	vld [tilespmem:s9+$0x12F10]  }
0x178: {  	v3 =	vld [tilespmem:s9+$0x12F20]  }
0x179: {  	v4 =	vld [tilespmem:s9+$0x12F30]  }
0x17a: {  	v5 =	vld [tilespmem:s9+$0x12F40]  }
0x17b: {  	v6 =	vld [tilespmem:s9+$0x12F50]  }
0x17c: {  	v7 =	vld [tilespmem:s9+$0x12F60]  }
0x17d: {  	v8 =	vld [tilespmem:s9+$0x12F70]  }
0x17e: {  	v9 =	vld [tilespmem:s9+$0x12F80]  }
0x17f: {  	v10 =	vld [tilespmem:s9+$0x12F90]  }
0x180: {  	v11 =	vld [tilespmem:s9+$0x12FA0]  }
0x181: {  	v12 =	vld [tilespmem:s9+$0x12FB0]  }
0x182: {  	v13 =	vld [tilespmem:s9+$0x12FC0]  }
0x183: {  	v14 =	vld [tilespmem:s9+$0x12FD0]  }
0x184: {  	[tilespmem:s9+$0x67F0] =	vst.add.f32.msk $0xffff, v0  }
0x185: {  	v0 =	vld [tilespmem:s9+$0x12FE0]  }
0x186: {  	[tilespmem:s9+$0x6700] =	vst.add.f32.msk $0xffff, v1  }
0x187: {  	[tilespmem:s9+$0x6710] =	vst.add.f32.msk $0xffff, v2  }
0x188: {  	[tilespmem:s9+$0x6720] =	vst.add.f32.msk $0xffff, v3  }
0x189: {  	[tilespmem:s9+$0x6730] =	vst.add.f32.msk $0xffff, v4  }
0x18a: {  	[tilespmem:s9+$0x6740] =	vst.add.f32.msk $0xffff, v5  }
0x18b: {  	[tilespmem:s9+$0x6750] =	vst.add.f32.msk $0xffff, v6  }
0x18c: {  	[tilespmem:s9+$0x6760] =	vst.add.f32.msk $0xffff, v7  }
0x18d: {  	[tilespmem:s9+$0x6770] =	vst.add.f32.msk $0xffff, v8  }
0x18e: {  	[tilespmem:s9+$0x6780] =	vst.add.f32.msk $0xffff, v9  }
0x18f: {  	[tilespmem:s9+$0x6790] =	vst.add.f32.msk $0xffff, v10  }
0x190: {  	[tilespmem:s9+$0x67A0] =	vst.add.f32.msk $0xffff, v11  }
0x191: {  	[tilespmem:s9+$0x67B0] =	vst.add.f32.msk $0xffff, v12  }
0x192: {  	[tilespmem:s9+$0x67C0] =	vst.add.f32.msk $0xffff, v13  }
0x193: {  	s20 =	simm.s32 $0x400;
	s10 =	simm.s32 $0x0;
	[tilespmem:s9+$0x67D0] =	vst.add.f32.msk $0xffff, v14  }
.LBB2_12:
0x194: {  	s10 =	sadd.s32 $0x2, s10;
	[tilespmem:s9+$0x67E0] =	vst.add.f32.msk $0xffff, v0;
	s9 =	sshra.s32 s20, $0x2  }
0x195: {  	v0 =	vld [tilespmem:s9+$0x12FF0];
	p0 =	slt.u32 s10, $0xC6  }
0x196: {  	v1 =	vld [tilespmem:s9+$0x12F00]  }
0x197: {  	v2 =	vld [tilespmem:s9+$0x12F10]  }
0x198: {  	v3 =	vld [tilespmem:s9+$0x12F20]  }
0x199: {  	v4 =	vld [tilespmem:s9+$0x12F30]  }
0x19a: {  	[tilespmem:s9+$0x67F0] =	vst.add.f32.msk $0xffff, v0  }
0x19b: {  	v5 =	vld [tilespmem:s9+$0x12F40]  }
0x19c: {  	v6 =	vld [tilespmem:s9+$0x12F50]  }
0x19d: {  	v7 =	vld [tilespmem:s9+$0x12F60]  }
0x19e: {  	v8 =	vld [tilespmem:s9+$0x12F70]  }
0x19f: {  	v9 =	vld [tilespmem:s9+$0x12F80]  }
0x1a0: {  	v10 =	vld [tilespmem:s9+$0x12F90]  }
0x1a1: {  	v11 =	vld [tilespmem:s9+$0x12FA0]  }
0x1a2: {  	v12 =	vld [tilespmem:s9+$0x12FB0]  }
0x1a3: {  	v13 =	vld [tilespmem:s9+$0x12FC0]  }
0x1a4: {  	v14 =	vld [tilespmem:s9+$0x12FD0]  }
0x1a5: {  	v0 =	vld [tilespmem:s9+$0x12FE0]  }
0x1a6: {  	[tilespmem:s9+$0x6700] =	vst.add.f32.msk $0xffff, v1  }
0x1a7: {  	[tilespmem:s9+$0x6710] =	vst.add.f32.msk $0xffff, v2  }
0x1a8: {  	[tilespmem:s9+$0x6720] =	vst.add.f32.msk $0xffff, v3  }
0x1a9: {  	[tilespmem:s9+$0x6730] =	vst.add.f32.msk $0xffff, v4  }
0x1aa: {  	[tilespmem:s9+$0x6740] =	vst.add.f32.msk $0xffff, v5  }
0x1ab: {  	[tilespmem:s9+$0x6750] =	vst.add.f32.msk $0xffff, v6  }
0x1ac: {  	[tilespmem:s9+$0x6760] =	vst.add.f32.msk $0xffff, v7  }
0x1ad: {  	[tilespmem:s9+$0x6770] =	vst.add.f32.msk $0xffff, v8  }
0x1ae: {  	[tilespmem:s9+$0x6780] =	vst.add.f32.msk $0xffff, v9  }
.Ltmp5:
0x1af: {  	[tilespmem:s9+$0x6790] =	vst.add.f32.msk $0xffff, v10;
	(pc) =	sbr.rel @p0 .LBB2_12-.Ltmp5, $4  }
0x1b0: {  	[tilespmem:s9+$0x67A0] =	vst.add.f32.msk $0xffff, v11  }
0x1b1: {  	[tilespmem:s9+$0x67B0] =	vst.add.f32.msk $0xffff, v12  }
0x1b2: {  	[tilespmem:s9+$0x67C0] =	vst.add.f32.msk $0xffff, v13  }
0x1b3: {  	s20 =	sadd.s32 $0x400, s20;
	[tilespmem:s9+$0x67D0] =	vst.add.f32.msk $0xffff, v14  }
0x1b4: {  	[tilespmem:s9+$0x67E0] =	vst.add.f32.msk $0xffff, v0;
	s20 =	rddreg [dreg:$0x9];
	s26 =	simm.s32 $0x9  }
0x1b5: {  	[hbm4b:s20+s5] =	stream.linear.scatter [tilespmem:s30], [sflag:$0x8], $0x6400, $0x38;
	[tilespmem:$0x19300] =	vst v63  }
0x1b6: {  	_ =	swait.ge [sflag:s26], $0x6400  }
0x1b7: {  	[sflag:s26] =	ssyncset.done $0x0  }
0x1b8: {  	[sflag:s26] =	ssyncadd.s32 $0xFFFF9C00  }
0x1b9: {  	_ =	swait.ge [sflag:s17], $0x6400  }
0x1ba: {  	[sflag:s17] =	ssyncset.done $0x0  }
0x1bb: {  	[sflag:s17] =	ssyncadd.s32 $0xFFFF9C00  }
0x1bc: {  	_ =	swait.ge [sflag:s8], $0x6400  }
0x1bd: {  	s10 =	rddreg [dreg:$0xb]  }
0x1be: {  	s28 =	rddreg [dreg:$0xa];
	s10 =	sadd.s32 $0x1, s10  }
0x1bf: {  	p0 =	sne.s32 s10, s28  }
.Ltmp6:
0x1c0: {  	_ = 	snop;
	(pc) =	sbr.rel @p0 .LBB2_1-.Ltmp6, $3  }
0x1c1: {  	_ =	sdelay $0x1  }
0x1c2: {  	[sflag:s8] =	ssyncset.done $0x0  }
0x1c3: {  	[sflag:s8] =	ssyncadd.s32 $0xFFFF9C00  }
0x1c4: {  	_ =	sfence.sel $0x180000  }
0x1c5: {  	[bflag:$0x0] =	sbarrier.arrive $0xFFFF  }
0x1c6: {  	_ =	strace $0x90000047  }
0x1c7: {  	s0 =	stileid.u32;
	[bflag:$0x2] =	sbarrier.arrive $0xFFFF  }
0x1c8: {  	p0 =	sne.s32 s0, $0x0;
	s0 =	rddreg [dreg:$0x4]  }
0x1c9: {  	s0 =	sadd.s32 @!p0 $0x100000, s0  }
0x1ca: {  	[sflag:s0] =	ssyncadd.tile.s32 @!p0 $0x1;
	_ =	shalt  }
.Lfunc_end2:
_tile_overlayer_lowered:
.L_overlay_start_2:
0x1cb: {  	(tag) =	ssettag $0x2  }
0x1cc: {  	s0 =	rddreg [dreg:$0x0];
	s2 =	stileid.u32  }
0x1cd: {  	s1 =	rddreg [dreg:$0x1];
	p0 =	sne.s32 s2, $0x0  }
0x1ce: {  	s3 =	rddreg [dreg:$0x2];
	[bflag:$0x3] =	sbarrier.arrive $0xFFFF;
	s2 =	simm.s32 @!p0 $0x1C0A  }
0x1cf: {  	[timem:s3], [sflag:s2] =	dma.local @!p0 [hbm:s0], s1  }
0x1d0: {  	s0 =	simm.s32 @!p0 $0xA  }
0x1d1: {  	_ =	swait.ge @!p0 [sflag:s0], s1  }
0x1d2: {  	s1 =	ssub.s32 @!p0 $0x0, s1;
	[sflag:s0] =	ssyncset.done @!p0 $0x0  }
0x1d3: {  	[sflag:s0] =	ssyncadd.s32 @!p0 s1  }
0x1d4: {  	[bflag:$0x3] =	sbarrier.arrive $0xFFFF  }
0x1d5: {  	_ =	shalt  }

</sc_bundles>
